<compile_context>
chip_gen: v7x
topology: tpu7x:2x2x1
jax: 0.10.2.dev20260603
libtpu: 0.0.44.dev20260713+nightly
codegen_flags: <defaults>
</compile_context>

<pallas_src>
import functools

import jax
import jax.numpy as jnp
from jax import lax
from jax.experimental import pallas as pl
from jax.experimental.pallas import tpu as pltpu
from jax.experimental.pallas import tpu_sc as plsc

N = 10000
D = 128
E = 320000
TEMP = 0.2

NC = 2
NS = 16
NW = NC * NS

CHUNK = 128
CPT = 79
E_PAD = NW * CPT * CHUNK
SINK = N
ACC_ROWS = 10048
DEG_PAD = 10240
PAIRS = 39

ROW_BLK = 1000


def _deg_body(dstp3, zeros1, out0, out1, idx_d_all, ones_v, sem, acc):
    c = lax.axis_index("c")
    s = lax.axis_index("s")
    w = c * NS + s

    pltpu.sync_copy(zeros1.at[pl.ds(s * 640, 640)],
                    acc.at[pl.ds(s * 640, 640)])
    pltpu.sync_copy(dstp3.at[w], idx_d_all)
    for i in range(CHUNK // 16):
        ones_v[pl.ds(i * 16, 16)] = jnp.ones((16,), jnp.float32)
    plsc.subcore_barrier()

    def body(k, carry):
        pltpu.async_copy(ones_v, acc.at[idx_d_all.at[k]], sem, add=True)
        return carry

    lax.fori_loop(0, CPT, body, 0)

    def drain(k, carry):
        pltpu.make_async_copy(ones_v, acc.at[idx_d_all.at[0]], sem).wait()
        return carry

    lax.fori_loop(0, CPT, drain, 0)
    plsc.subcore_barrier()

    @pl.when(c == 0)
    def _():
        pltpu.sync_copy(acc.at[pl.ds(s * 640, 640)],
                        out0.at[pl.ds(s * 640, 640)])

    @pl.when(c == 1)
    def _():
        pltpu.sync_copy(acc.at[pl.ds(s * 640, 640)],
                        out1.at[pl.ds(s * 640, 640)])


@functools.cache
def _deg_call():
    mesh = plsc.VectorSubcoreMesh(core_axis_name="c", subcore_axis_name="s")
    return pl.kernel(
        _deg_body,
        out_type=[jax.ShapeDtypeStruct((DEG_PAD,), jnp.float32),
                  jax.ShapeDtypeStruct((DEG_PAD,), jnp.float32)],
        mesh=mesh,
        scratch_types=[
            pltpu.VMEM((CPT, CHUNK), jnp.int32),
            pltpu.VMEM((CHUNK,), jnp.float32),
            pltpu.SemaphoreType.DMA,
            pltpu.VMEM_SHARED((DEG_PAD,), jnp.float32),
        ],
    )


def _agg_body(g, srcp3, dstp3, zeros2, out0, out1,
              is0, is1, is2, id0, id1, id2, r0, r1, r2,
              sis0, sis1, sis2, sid0, sid1, sid2,
              sg0, sg1, sg2, ss0, ss1, ss2, acc):
    c = lax.axis_index("c")
    s = lax.axis_index("s")
    w = c * NS + s
    isb = (is0, is1, is2)
    idb = (id0, id1, id2)
    rows = (r0, r1, r2)
    sis = (sis0, sis1, sis2)
    sid = (sid0, sid1, sid2)
    sg = (sg0, sg1, sg2)
    ss = (ss0, ss1, ss2)

    @pl.when(s < 10)
    def _():
        pltpu.sync_copy(zeros2, acc.at[pl.ds(s * 1000, 1000)])

    def start_gather(b):
        pltpu.async_copy(g.at[isb[b]], rows[b], sg[b])

    def wait_gather(b):
        pltpu.make_async_copy(g.at[isb[b]], rows[b], sg[b]).wait()

    def start_scatter(b):
        pltpu.async_copy(rows[b], acc.at[idb[b]], ss[b], add=True)

    def wait_scatter(b):
        pltpu.make_async_copy(rows[b], acc.at[idb[b]], ss[b]).wait()

    def load_is(k, b):
        pltpu.async_copy(srcp3.at[w, k], isb[b], sis[b])

    def wait_is(b):
        pltpu.make_async_copy(srcp3.at[w, 0], isb[b], sis[b]).wait()

    def load_id(k, b):
        pltpu.async_copy(dstp3.at[w, k], idb[b], sid[b])

    def wait_id(b):
        pltpu.make_async_copy(dstp3.at[w, 0], idb[b], sid[b]).wait()

    pltpu.sync_copy(srcp3.at[w, 0], is0)
    pltpu.sync_copy(srcp3.at[w, 1], is1)
    pltpu.sync_copy(srcp3.at[w, 2], is2)
    pltpu.sync_copy(dstp3.at[w, 0], id0)
    pltpu.async_copy(dstp3.at[w, 1], id1, sid1)
    plsc.subcore_barrier()
    start_gather(0)
    start_gather(1)
    wait_gather(0)
    load_is(3, 0)
    start_scatter(0)
    load_id(2, 2)
    start_gather(2)

    def triple(t, carry):
        for j in range(3):
            k = 3 * t + 1 + j
            b = (1 + j) % 3
            pb = j % 3
            wait_gather(b)

            @pl.when(t < 25)
            def _(k=k, b=b):
                load_is(k + 3, b)

            wait_id(b)
            start_scatter(b)
            wait_scatter(pb)
            if j == 0:
                load_id(k + 2, pb)
                wait_is(pb)
                start_gather(pb)
            else:
                @pl.when(t < 25)
                def _(k=k, pb=pb):
                    load_id(k + 2, pb)
                    wait_is(pb)
                    start_gather(pb)
        return carry

    lax.fori_loop(0, 26, triple, 0)
    wait_scatter(0)
    plsc.subcore_barrier()

    @pl.when(jnp.logical_and(c == 0, s < 10))
    def _():
        pltpu.sync_copy(acc.at[pl.ds(s * 1000, 1000)],
                        out0.at[pl.ds(s * 1000, 1000)])

    @pl.when(jnp.logical_and(c == 1, s < 10))
    def _():
        pltpu.sync_copy(acc.at[pl.ds(s * 1000, 1000)],
                        out1.at[pl.ds(s * 1000, 1000)])


@functools.cache
def _agg_call():
    mesh = plsc.VectorSubcoreMesh(core_axis_name="c", subcore_axis_name="s")
    return pl.kernel(
        _agg_body,
        out_type=[jax.ShapeDtypeStruct((N, D), jnp.float32),
                  jax.ShapeDtypeStruct((N, D), jnp.float32)],
        mesh=mesh,
        scratch_types=(
            [pltpu.VMEM((CHUNK,), jnp.int32)] * 6
            + [pltpu.VMEM((CHUNK, D), jnp.float32)] * 3
            + [pltpu.SemaphoreType.DMA] * 12
            + [pltpu.VMEM_SHARED((ACC_ROWS, D), jnp.float32)]
        ),
    )


def _mm_body(x_ref, w_ref, o_ref):
    o_ref[...] = jnp.dot(x_ref[...], w_ref[...],
                         precision=lax.Precision.HIGHEST,
                         preferred_element_type=jnp.float32)


_mm_call = pl.pallas_call(
    _mm_body,
    grid=(N // ROW_BLK,),
    in_specs=[
        pl.BlockSpec((ROW_BLK, D), lambda i: (i, 0)),
        pl.BlockSpec((D, D), lambda i: (0, 0)),
    ],
    out_specs=pl.BlockSpec((ROW_BLK, D), lambda i: (i, 0)),
    out_shape=jax.ShapeDtypeStruct((N, D), jnp.float32),
)


def _scale_body(d0_ref, d1_ref, h_ref, dinv_ref, g_ref):
    deg = d0_ref[...] + d1_ref[...] + 1.0
    dinv = lax.rsqrt(deg)
    dinv_ref[...] = dinv
    g_ref[...] = h_ref[...] * dinv


_scale_call = pl.pallas_call(
    _scale_body,
    grid=(N // ROW_BLK,),
    in_specs=[
        pl.BlockSpec((ROW_BLK, 1), lambda i: (i, 0)),
        pl.BlockSpec((ROW_BLK, 1), lambda i: (i, 0)),
        pl.BlockSpec((ROW_BLK, D), lambda i: (i, 0)),
    ],
    out_specs=[
        pl.BlockSpec((ROW_BLK, 1), lambda i: (i, 0)),
        pl.BlockSpec((ROW_BLK, D), lambda i: (i, 0)),
    ],
    out_shape=[
        jax.ShapeDtypeStruct((N, 1), jnp.float32),
        jax.ShapeDtypeStruct((N, D), jnp.float32),
    ],
)


def _layer2_body(a0_ref, a1_ref, g1_ref, dinv_ref, b1_ref, w2_ref, g2_ref):
    acc = a0_ref[...] + a1_ref[...]
    z = jnp.maximum(dinv_ref[...] * (acc + g1_ref[...]) + b1_ref[...], 0.0)
    h2 = jnp.dot(z, w2_ref[...],
                 precision=lax.Precision.HIGHEST,
                 preferred_element_type=jnp.float32)
    g2_ref[...] = h2 * dinv_ref[...]


_layer2_call = pl.pallas_call(
    _layer2_body,
    grid=(N // ROW_BLK,),
    in_specs=[
        pl.BlockSpec((ROW_BLK, D), lambda i: (i, 0)),
        pl.BlockSpec((ROW_BLK, D), lambda i: (i, 0)),
        pl.BlockSpec((ROW_BLK, D), lambda i: (i, 0)),
        pl.BlockSpec((ROW_BLK, 1), lambda i: (i, 0)),
        pl.BlockSpec((1, D), lambda i: (0, 0)),
        pl.BlockSpec((D, D), lambda i: (0, 0)),
    ],
    out_specs=pl.BlockSpec((ROW_BLK, D), lambda i: (i, 0)),
    out_shape=jax.ShapeDtypeStruct((N, D), jnp.float32),
)


def _out_body(a0_ref, a1_ref, g2_ref, dinv_ref, b2_ref, o_ref):
    acc = a0_ref[...] + a1_ref[...]
    y = (dinv_ref[...] * (acc + g2_ref[...]) + b2_ref[...]) / TEMP
    m = jnp.max(y, axis=1, keepdims=True)
    lse = jnp.log(jnp.sum(jnp.exp(y - m), axis=1, keepdims=True)) + m
    o_ref[...] = y - lse


_out_call = pl.pallas_call(
    _out_body,
    grid=(N // ROW_BLK,),
    in_specs=[
        pl.BlockSpec((ROW_BLK, D), lambda i: (i, 0)),
        pl.BlockSpec((ROW_BLK, D), lambda i: (i, 0)),
        pl.BlockSpec((ROW_BLK, D), lambda i: (i, 0)),
        pl.BlockSpec((ROW_BLK, 1), lambda i: (i, 0)),
        pl.BlockSpec((1, D), lambda i: (0, 0)),
    ],
    out_specs=pl.BlockSpec((ROW_BLK, D), lambda i: (i, 0)),
    out_shape=jax.ShapeDtypeStruct((N, D), jnp.float32),
)


def kernel(x, edge_index, W1, b1, W2, b2):
    src = edge_index[0].astype(jnp.int32)
    dst = edge_index[1].astype(jnp.int32)
    srcp = jnp.concatenate([src, jnp.zeros((E_PAD - E,), jnp.int32)])
    dstp = jnp.concatenate([dst, jnp.full((E_PAD - E,), SINK, jnp.int32)])
    srcp = srcp.reshape(NW, CPT, CHUNK)
    dstp = dstp.reshape(NW, CPT, CHUNK)
    zeros1 = jnp.zeros((DEG_PAD,), jnp.float32)
    zeros2 = jnp.zeros((1000, D), jnp.float32)

    deg0, deg1 = _deg_call()(dstp, zeros1)
    h1 = _mm_call(x, W1)
    dinv, g1 = _scale_call(deg0[:N].reshape(N, 1), deg1[:N].reshape(N, 1), h1)
    a10, a11 = _agg_call()(g1, srcp, dstp, zeros2)
    g2 = _layer2_call(a10, a11, g1, dinv, b1.reshape(1, D), W2)
    a20, a21 = _agg_call()(g2, srcp, dstp, zeros2)
    return _out_call(a20, a21, g2, dinv, b2.reshape(1, D))

# --- scband reference (transcript-rebuilt; emitter-appended) ---
"""Pipeline reference for scband-gcn-17308718202961 (READ-ONLY COPY).

The authoritative reference and input builder live on the scoring server;
editing this copy changes nothing except your own understanding.
"""

import jax, jax.numpy as jnp
import numpy as np

N_NODES = 10000
IN_DIM = 128
HID_DIM = 128
OUT_DIM = 128
N_EDGES = 320000
T = 0.2


def setup_inputs(seed: int = 0) -> dict:
    key = jax.random.key(seed)
    k_x, k_ei, k_w1, k_w2 = [jax.random.fold_in(key, i) for i in range(4)]
    x = jax.random.normal(k_x, (N_NODES, IN_DIM), dtype=jnp.float32)
    edge_index = jax.random.randint(k_ei, (2, N_EDGES), 0, N_NODES, dtype=jnp.int64)
    # GCNConv params (glorot-style init for weights, zeros for bias)
    s1 = 1.0 / np.sqrt(IN_DIM)
    s2 = 1.0 / np.sqrt(HID_DIM)
    W1 = jax.random.uniform(k_w1, (IN_DIM, HID_DIM), jnp.float32, -s1, s1)
    b1 = jnp.zeros((HID_DIM,), jnp.float32)
    W2 = jax.random.uniform(k_w2, (HID_DIM, OUT_DIM), jnp.float32, -s2, s2)
    b2 = jnp.zeros((OUT_DIM,), jnp.float32)
    return {"x": x, "edge_index": edge_index, "W1": W1, "b1": b1, "W2": W2, "b2": b2}


def _gcn_conv(x, edge_index, W, b, num_nodes):
    # Faithful PyG GCNConv: add self-loops, symmetric normalization, propagate.
    src = edge_index[0]
    dst = edge_index[1]
    loop = jnp.arange(num_nodes, dtype=src.dtype)
    src = jnp.concatenate([src, loop])
    dst = jnp.concatenate([dst, loop])
    ew = jnp.ones(src.shape[0], dtype=x.dtype)
    deg = jnp.zeros((num_nodes,), dtype=x.dtype).at[dst].add(ew)
    deg_inv_sqrt = jnp.where(deg > 0, jax.lax.rsqrt(jnp.maximum(deg, 1e-12)), 0.0)
    norm = deg_inv_sqrt[src] * ew * deg_inv_sqrt[dst]
    h = x @ W
    msg = h[src] * norm[:, None]
    out = jnp.zeros((num_nodes, W.shape[1]), dtype=x.dtype).at[dst].add(msg)
    return out + b


def reference(x, edge_index, W1, b1, W2, b2):
    n = x.shape[0]
    h = jax.nn.relu(_gcn_conv(x, edge_index, W1, b1, n))
    # F.dropout with training=self.training; eval mode -> identity
    h = _gcn_conv(h, edge_index, W2, b2, n)
    return jax.nn.log_softmax(h / T, axis=1)

if __name__ == "__main__":
    import jax
    _d = setup_inputs()
    print(jax.jit(kernel)(*tuple(_d.values())))

</pallas_src>

<mosaic_0001>
#map = affine_map<(d0, d1) -> (0, 0)>
#map1 = affine_map<(d0, d1) -> (0, 0, 0)>
module attributes {stable_mosaic.version = 14 : i64} {
  func.func @_agg_body(%arg0: i32, %arg1: i32, %arg2: memref<10000x128xf32, #tpu.memory_space<hbm>>, %arg3: memref<32x79x128xi32, #tpu.memory_space<hbm>>, %arg4: memref<32x79x128xi32, #tpu.memory_space<hbm>>, %arg5: memref<1000x128xf32, #tpu.memory_space<hbm>>, %arg6: memref<10000x128xf32, #tpu.memory_space<hbm>>, %arg7: memref<10000x128xf32, #tpu.memory_space<hbm>>, %arg8: memref<128xi32, #tpu.memory_space<vmem>>, %arg9: memref<128xi32, #tpu.memory_space<vmem>>, %arg10: memref<128xi32, #tpu.memory_space<vmem>>, %arg11: memref<128xi32, #tpu.memory_space<vmem>>, %arg12: memref<128xi32, #tpu.memory_space<vmem>>, %arg13: memref<128xi32, #tpu.memory_space<vmem>>, %arg14: memref<128x128xf32, #tpu.memory_space<vmem>>, %arg15: memref<128x128xf32, #tpu.memory_space<vmem>>, %arg16: memref<128x128xf32, #tpu.memory_space<vmem>>, %arg17: memref<!tpu.dma_semaphore, #tpu.memory_space<semaphore_mem>>, %arg18: memref<!tpu.dma_semaphore, #tpu.memory_space<semaphore_mem>>, %arg19: memref<!tpu.dma_semaphore, #tpu.memory_space<semaphore_mem>>, %arg20: memref<!tpu.dma_semaphore, #tpu.memory_space<semaphore_mem>>, %arg21: memref<!tpu.dma_semaphore, #tpu.memory_space<semaphore_mem>>, %arg22: memref<!tpu.dma_semaphore, #tpu.memory_space<semaphore_mem>>, %arg23: memref<!tpu.dma_semaphore, #tpu.memory_space<semaphore_mem>>, %arg24: memref<!tpu.dma_semaphore, #tpu.memory_space<semaphore_mem>>, %arg25: memref<!tpu.dma_semaphore, #tpu.memory_space<semaphore_mem>>, %arg26: memref<!tpu.dma_semaphore, #tpu.memory_space<semaphore_mem>>, %arg27: memref<!tpu.dma_semaphore, #tpu.memory_space<semaphore_mem>>, %arg28: memref<!tpu.dma_semaphore, #tpu.memory_space<semaphore_mem>>, %arg29: memref<10048x128xf32, #tpu.memory_space<vmem_shared>>) attributes {dimension_semantics = [#tpu.dimension_semantics<core_parallel>, #tpu.dimension_semantics<subcore_parallel>], iteration_bounds = array<i64: 2, 16>, scalar_prefetch = 0 : i64, scratch_operands = 22 : i64, tpu.core_type = #tpu.core_type<sc_vector_subcore>, window_params = [{transform_indices = #map}, {transform_indices = #map1}, {transform_indices = #map1}, {transform_indices = #map}, {transform_indices = #map}, {transform_indices = #map}]} {
    %mul3A = arith.constant 16 : i32
    %mul3A_0 = arith.muli %arg0, %mul3A : i32
    %add3A = arith.addi %mul3A_0, %arg1 : i32
    %lt3A = arith.constant 10 : i32
    %lt3A_1 = arith.cmpi slt, %arg1, %lt3A : i32
    %convert_element_type3A = arith.extui %lt3A_1 : i1 to i32
    %cond3A = arith.constant 0 : i32
    %cond3A_2 = arith.cmpi ne, %convert_element_type3A, %cond3A : i32
    scf.if %cond3A_2 {
      %mul3A_63 = arith.constant 1000 : i32
      %mul3A_64 = arith.muli %arg1, %mul3A_63 : i32
      "tpu.region"() ({
        %run_scoped3A_65 = tpu.sem_alloc : memref<!tpu.dma_semaphore, #tpu.memory_space<semaphore_mem>>
        %dma_start3A_66 = arith.constant 0 : i32
        %dma_start3A_67 = tpu.memref_slice %arg29[%mul3A_64, %dma_start3A_66] : memref<10048x128xf32, #tpu.memory_space<vmem_shared>> -> memref<1000x128xf32, #tpu.memory_space<vmem_shared>>
        tpu.enqueue_dma source(%arg5 : memref<1000x128xf32, #tpu.memory_space<hbm>>) target(%dma_start3A_67 : memref<1000x128xf32, #tpu.memory_space<vmem_shared>>) target_semaphore(%run_scoped3A_65 : memref<!tpu.dma_semaphore, #tpu.memory_space<semaphore_mem>>)
        %dma_wait3A_68 = arith.constant 0 : i32
        %dma_wait3A_69 = tpu.memref_slice %arg29[%mul3A_64, %dma_wait3A_68] : memref<10048x128xf32, #tpu.memory_space<vmem_shared>> -> memref<1000x128xf32, #tpu.memory_space<vmem_shared>>
        tpu.wait_dma2 semaphore(%run_scoped3A_65 : memref<!tpu.dma_semaphore, #tpu.memory_space<semaphore_mem>>) src(%arg5 : memref<1000x128xf32, #tpu.memory_space<hbm>>) dst(%dma_wait3A_69 : memref<1000x128xf32, #tpu.memory_space<vmem_shared>>)
        tpu.yield
      }) : () -> ()
    } else {
    }
    %run_scoped3A = arith.constant 0 : i32
    "tpu.region"() ({
      %run_scoped3A_63 = tpu.sem_alloc : memref<!tpu.dma_semaphore, #tpu.memory_space<semaphore_mem>>
      %dma_start3A_64 = arith.constant 0 : i32
      %dma_start3A_65 = tpu.memref_slice %arg3[%add3A, %run_scoped3A, %dma_start3A_64] : memref<32x79x128xi32, #tpu.memory_space<hbm>> -> memref<1x1x128xi32, #tpu.memory_space<hbm>>
      %dma_start3A_66 = tpu.memref_squeeze %dma_start3A_65 : memref<1x1x128xi32, #tpu.memory_space<hbm>> -> memref<128xi32, #tpu.memory_space<hbm>>
      %dma_start3A_67 = arith.constant 0 : i32
      %dma_start3A_68 = tpu.memref_slice %arg3[%add3A, %run_scoped3A, %dma_start3A_67] : memref<32x79x128xi32, #tpu.memory_space<hbm>> -> memref<1x1x128xi32, #tpu.memory_space<hbm>>
      %dma_start3A_69 = tpu.memref_squeeze %dma_start3A_68 : memref<1x1x128xi32, #tpu.memory_space<hbm>> -> memref<128xi32, #tpu.memory_space<hbm>>
      tpu.enqueue_dma source(%dma_start3A_69 : memref<128xi32, #tpu.memory_space<hbm>>) target(%arg8 : memref<128xi32, #tpu.memory_space<vmem>>) target_semaphore(%run_scoped3A_63 : memref<!tpu.dma_semaphore, #tpu.memory_space<semaphore_mem>>)
      %dma_wait3A_70 = arith.constant 0 : i32
      %dma_wait3A_71 = tpu.memref_slice %arg3[%add3A, %run_scoped3A, %dma_wait3A_70] : memref<32x79x128xi32, #tpu.memory_space<hbm>> -> memref<1x1x128xi32, #tpu.memory_space<hbm>>
      %dma_wait3A_72 = tpu.memref_squeeze %dma_wait3A_71 : memref<1x1x128xi32, #tpu.memory_space<hbm>> -> memref<128xi32, #tpu.memory_space<hbm>>
      %dma_wait3A_73 = arith.constant 0 : i32
      %dma_wait3A_74 = tpu.memref_slice %arg3[%add3A, %run_scoped3A, %dma_wait3A_73] : memref<32x79x128xi32, #tpu.memory_space<hbm>> -> memref<1x1x128xi32, #tpu.memory_space<hbm>>
      %dma_wait3A_75 = tpu.memref_squeeze %dma_wait3A_74 : memref<1x1x128xi32, #tpu.memory_space<hbm>> -> memref<128xi32, #tpu.memory_space<hbm>>
      tpu.wait_dma2 semaphore(%run_scoped3A_63 : memref<!tpu.dma_semaphore, #tpu.memory_space<semaphore_mem>>) src(%dma_wait3A_75 : memref<128xi32, #tpu.memory_space<hbm>>) dst(%arg8 : memref<128xi32, #tpu.memory_space<vmem>>)
      tpu.yield
    }) : () -> ()
    %run_scoped3A_3 = arith.constant 1 : i32
    "tpu.region"() ({
      %run_scoped3A_63 = tpu.sem_alloc : memref<!tpu.dma_semaphore, #tpu.memory_space<semaphore_mem>>
      %dma_start3A_64 = arith.constant 0 : i32
      %dma_start3A_65 = tpu.memref_slice %arg3[%add3A, %run_scoped3A_3, %dma_start3A_64] : memref<32x79x128xi32, #tpu.memory_space<hbm>> -> memref<1x1x128xi32, #tpu.memory_space<hbm>>
      %dma_start3A_66 = tpu.memref_squeeze %dma_start3A_65 : memref<1x1x128xi32, #tpu.memory_space<hbm>> -> memref<128xi32, #tpu.memory_space<hbm>>
      %dma_start3A_67 = arith.constant 0 : i32
      %dma_start3A_68 = tpu.memref_slice %arg3[%add3A, %run_scoped3A_3, %dma_start3A_67] : memref<32x79x128xi32, #tpu.memory_space<hbm>> -> memref<1x1x128xi32, #tpu.memory_space<hbm>>
      %dma_start3A_69 = tpu.memref_squeeze %dma_start3A_68 : memref<1x1x128xi32, #tpu.memory_space<hbm>> -> memref<128xi32, #tpu.memory_space<hbm>>
      tpu.enqueue_dma source(%dma_start3A_69 : memref<128xi32, #tpu.memory_space<hbm>>) target(%arg9 : memref<128xi32, #tpu.memory_space<vmem>>) target_semaphore(%run_scoped3A_63 : memref<!tpu.dma_semaphore, #tpu.memory_space<semaphore_mem>>)
      %dma_wait3A_70 = arith.constant 0 : i32
      %dma_wait3A_71 = tpu.memref_slice %arg3[%add3A, %run_scoped3A_3, %dma_wait3A_70] : memref<32x79x128xi32, #tpu.memory_space<hbm>> -> memref<1x1x128xi32, #tpu.memory_space<hbm>>
      %dma_wait3A_72 = tpu.memref_squeeze %dma_wait3A_71 : memref<1x1x128xi32, #tpu.memory_space<hbm>> -> memref<128xi32, #tpu.memory_space<hbm>>
      %dma_wait3A_73 = arith.constant 0 : i32
      %dma_wait3A_74 = tpu.memref_slice %arg3[%add3A, %run_scoped3A_3, %dma_wait3A_73] : memref<32x79x128xi32, #tpu.memory_space<hbm>> -> memref<1x1x128xi32, #tpu.memory_space<hbm>>
      %dma_wait3A_75 = tpu.memref_squeeze %dma_wait3A_74 : memref<1x1x128xi32, #tpu.memory_space<hbm>> -> memref<128xi32, #tpu.memory_space<hbm>>
      tpu.wait_dma2 semaphore(%run_scoped3A_63 : memref<!tpu.dma_semaphore, #tpu.memory_space<semaphore_mem>>) src(%dma_wait3A_75 : memref<128xi32, #tpu.memory_space<hbm>>) dst(%arg9 : memref<128xi32, #tpu.memory_space<vmem>>)
      tpu.yield
    }) : () -> ()
    %run_scoped3A_4 = arith.constant 2 : i32
    "tpu.region"() ({
      %run_scoped3A_63 = tpu.sem_alloc : memref<!tpu.dma_semaphore, #tpu.memory_space<semaphore_mem>>
      %dma_start3A_64 = arith.constant 0 : i32
      %dma_start3A_65 = tpu.memref_slice %arg3[%add3A, %run_scoped3A_4, %dma_start3A_64] : memref<32x79x128xi32, #tpu.memory_space<hbm>> -> memref<1x1x128xi32, #tpu.memory_space<hbm>>
      %dma_start3A_66 = tpu.memref_squeeze %dma_start3A_65 : memref<1x1x128xi32, #tpu.memory_space<hbm>> -> memref<128xi32, #tpu.memory_space<hbm>>
      %dma_start3A_67 = arith.constant 0 : i32
      %dma_start3A_68 = tpu.memref_slice %arg3[%add3A, %run_scoped3A_4, %dma_start3A_67] : memref<32x79x128xi32, #tpu.memory_space<hbm>> -> memref<1x1x128xi32, #tpu.memory_space<hbm>>
      %dma_start3A_69 = tpu.memref_squeeze %dma_start3A_68 : memref<1x1x128xi32, #tpu.memory_space<hbm>> -> memref<128xi32, #tpu.memory_space<hbm>>
      tpu.enqueue_dma source(%dma_start3A_69 : memref<128xi32, #tpu.memory_space<hbm>>) target(%arg10 : memref<128xi32, #tpu.memory_space<vmem>>) target_semaphore(%run_scoped3A_63 : memref<!tpu.dma_semaphore, #tpu.memory_space<semaphore_mem>>)
      %dma_wait3A_70 = arith.constant 0 : i32
      %dma_wait3A_71 = tpu.memref_slice %arg3[%add3A, %run_scoped3A_4, %dma_wait3A_70] : memref<32x79x128xi32, #tpu.memory_space<hbm>> -> memref<1x1x128xi32, #tpu.memory_space<hbm>>
      %dma_wait3A_72 = tpu.memref_squeeze %dma_wait3A_71 : memref<1x1x128xi32, #tpu.memory_space<hbm>> -> memref<128xi32, #tpu.memory_space<hbm>>
      %dma_wait3A_73 = arith.constant 0 : i32
      %dma_wait3A_74 = tpu.memref_slice %arg3[%add3A, %run_scoped3A_4, %dma_wait3A_73] : memref<32x79x128xi32, #tpu.memory_space<hbm>> -> memref<1x1x128xi32, #tpu.memory_space<hbm>>
      %dma_wait3A_75 = tpu.memref_squeeze %dma_wait3A_74 : memref<1x1x128xi32, #tpu.memory_space<hbm>> -> memref<128xi32, #tpu.memory_space<hbm>>
      tpu.wait_dma2 semaphore(%run_scoped3A_63 : memref<!tpu.dma_semaphore, #tpu.memory_space<semaphore_mem>>) src(%dma_wait3A_75 : memref<128xi32, #tpu.memory_space<hbm>>) dst(%arg10 : memref<128xi32, #tpu.memory_space<vmem>>)
      tpu.yield
    }) : () -> ()
    %run_scoped3A_5 = arith.constant 0 : i32
    "tpu.region"() ({
      %run_scoped3A_63 = tpu.sem_alloc : memref<!tpu.dma_semaphore, #tpu.memory_space<semaphore_mem>>
      %dma_start3A_64 = arith.constant 0 : i32
      %dma_start3A_65 = tpu.memref_slice %arg4[%add3A, %run_scoped3A_5, %dma_start3A_64] : memref<32x79x128xi32, #tpu.memory_space<hbm>> -> memref<1x1x128xi32, #tpu.memory_space<hbm>>
      %dma_start3A_66 = tpu.memref_squeeze %dma_start3A_65 : memref<1x1x128xi32, #tpu.memory_space<hbm>> -> memref<128xi32, #tpu.memory_space<hbm>>
      %dma_start3A_67 = arith.constant 0 : i32
      %dma_start3A_68 = tpu.memref_slice %arg4[%add3A, %run_scoped3A_5, %dma_start3A_67] : memref<32x79x128xi32, #tpu.memory_space<hbm>> -> memref<1x1x128xi32, #tpu.memory_space<hbm>>
      %dma_start3A_69 = tpu.memref_squeeze %dma_start3A_68 : memref<1x1x128xi32, #tpu.memory_space<hbm>> -> memref<128xi32, #tpu.memory_space<hbm>>
      tpu.enqueue_dma source(%dma_start3A_69 : memref<128xi32, #tpu.memory_space<hbm>>) target(%arg11 : memref<128xi32, #tpu.memory_space<vmem>>) target_semaphore(%run_scoped3A_63 : memref<!tpu.dma_semaphore, #tpu.memory_space<semaphore_mem>>)
      %dma_wait3A_70 = arith.constant 0 : i32
      %dma_wait3A_71 = tpu.memref_slice %arg4[%add3A, %run_scoped3A_5, %dma_wait3A_70] : memref<32x79x128xi32, #tpu.memory_space<hbm>> -> memref<1x1x128xi32, #tpu.memory_space<hbm>>
      %dma_wait3A_72 = tpu.memref_squeeze %dma_wait3A_71 : memref<1x1x128xi32, #tpu.memory_space<hbm>> -> memref<128xi32, #tpu.memory_space<hbm>>
      %dma_wait3A_73 = arith.constant 0 : i32
      %dma_wait3A_74 = tpu.memref_slice %arg4[%add3A, %run_scoped3A_5, %dma_wait3A_73] : memref<32x79x128xi32, #tpu.memory_space<hbm>> -> memref<1x1x128xi32, #tpu.memory_space<hbm>>
      %dma_wait3A_75 = tpu.memref_squeeze %dma_wait3A_74 : memref<1x1x128xi32, #tpu.memory_space<hbm>> -> memref<128xi32, #tpu.memory_space<hbm>>
      tpu.wait_dma2 semaphore(%run_scoped3A_63 : memref<!tpu.dma_semaphore, #tpu.memory_space<semaphore_mem>>) src(%dma_wait3A_75 : memref<128xi32, #tpu.memory_space<hbm>>) dst(%arg11 : memref<128xi32, #tpu.memory_space<vmem>>)
      tpu.yield
    }) : () -> ()
    %dma_start3A = arith.constant 1 : i32
    %dma_start3A_6 = arith.constant 0 : i32
    %dma_start3A_7 = tpu.memref_slice %arg4[%add3A, %dma_start3A, %dma_start3A_6] : memref<32x79x128xi32, #tpu.memory_space<hbm>> -> memref<1x1x128xi32, #tpu.memory_space<hbm>>
    %dma_start3A_8 = tpu.memref_squeeze %dma_start3A_7 : memref<1x1x128xi32, #tpu.memory_space<hbm>> -> memref<128xi32, #tpu.memory_space<hbm>>
    %dma_start3A_9 = arith.constant 0 : i32
    %dma_start3A_10 = tpu.memref_slice %arg4[%add3A, %dma_start3A, %dma_start3A_9] : memref<32x79x128xi32, #tpu.memory_space<hbm>> -> memref<1x1x128xi32, #tpu.memory_space<hbm>>
    %dma_start3A_11 = tpu.memref_squeeze %dma_start3A_10 : memref<1x1x128xi32, #tpu.memory_space<hbm>> -> memref<128xi32, #tpu.memory_space<hbm>>
    tpu.enqueue_dma source(%dma_start3A_11 : memref<128xi32, #tpu.memory_space<hbm>>) target(%arg12 : memref<128xi32, #tpu.memory_space<vmem>>) target_semaphore(%arg21 : memref<!tpu.dma_semaphore, #tpu.memory_space<semaphore_mem>>)
    %barrier3A = arith.constant 0 : index
    tpu.barrier barrier_id(%barrier3A)
    %dma_start3A_12 = arith.constant 0 : i32
    %dma_start3A_13 = arith.constant 0 : i32
    %dma_start3A_14 = tpu.memref_slice %arg2[%dma_start3A_12, %dma_start3A_13] : memref<10000x128xf32, #tpu.memory_space<hbm>> -> memref<10000x128xf32, #tpu.memory_space<hbm>>
    tpu.enqueue_indirect_dma source(%dma_start3A_14 : memref<10000x128xf32, #tpu.memory_space<hbm>>) target(%arg14 : memref<128x128xf32, #tpu.memory_space<vmem>>) offsets(%arg8 : memref<128xi32, #tpu.memory_space<vmem>>) semaphore(%arg23 : memref<!tpu.dma_semaphore, #tpu.memory_space<semaphore_mem>>)
    %dma_start3A_15 = arith.constant 0 : i32
    %dma_start3A_16 = arith.constant 0 : i32
    %dma_start3A_17 = tpu.memref_slice %arg2[%dma_start3A_15, %dma_start3A_16] : memref<10000x128xf32, #tpu.memory_space<hbm>> -> memref<10000x128xf32, #tpu.memory_space<hbm>>
    tpu.enqueue_indirect_dma source(%dma_start3A_17 : memref<10000x128xf32, #tpu.memory_space<hbm>>) target(%arg15 : memref<128x128xf32, #tpu.memory_space<vmem>>) offsets(%arg9 : memref<128xi32, #tpu.memory_space<vmem>>) semaphore(%arg24 : memref<!tpu.dma_semaphore, #tpu.memory_space<semaphore_mem>>)
    %dma_wait3A = arith.constant 0 : i32
    %dma_wait3A_18 = arith.constant 0 : i32
    %dma_wait3A_19 = tpu.memref_slice %arg2[%dma_wait3A, %dma_wait3A_18] : memref<10000x128xf32, #tpu.memory_space<hbm>> -> memref<10000x128xf32, #tpu.memory_space<hbm>>
    tpu.wait_indirect_dma semaphore(%arg23 : memref<!tpu.dma_semaphore, #tpu.memory_space<semaphore_mem>>) src(%dma_wait3A_19 : memref<10000x128xf32, #tpu.memory_space<hbm>>) dst(%arg14 : memref<128x128xf32, #tpu.memory_space<vmem>>)
    %dma_start3A_20 = arith.constant 3 : i32
    %dma_start3A_21 = arith.constant 0 : i32
    %dma_start3A_22 = tpu.memref_slice %arg3[%add3A, %dma_start3A_20, %dma_start3A_21] : memref<32x79x128xi32, #tpu.memory_space<hbm>> -> memref<1x1x128xi32, #tpu.memory_space<hbm>>
    %dma_start3A_23 = tpu.memref_squeeze %dma_start3A_22 : memref<1x1x128xi32, #tpu.memory_space<hbm>> -> memref<128xi32, #tpu.memory_space<hbm>>
    %dma_start3A_24 = arith.constant 0 : i32
    %dma_start3A_25 = tpu.memref_slice %arg3[%add3A, %dma_start3A_20, %dma_start3A_24] : memref<32x79x128xi32, #tpu.memory_space<hbm>> -> memref<1x1x128xi32, #tpu.memory_space<hbm>>
    %dma_start3A_26 = tpu.memref_squeeze %dma_start3A_25 : memref<1x1x128xi32, #tpu.memory_space<hbm>> -> memref<128xi32, #tpu.memory_space<hbm>>
    tpu.enqueue_dma source(%dma_start3A_26 : memref<128xi32, #tpu.memory_space<hbm>>) target(%arg8 : memref<128xi32, #tpu.memory_space<vmem>>) target_semaphore(%arg17 : memref<!tpu.dma_semaphore, #tpu.memory_space<semaphore_mem>>)
    %dma_start3A_27 = arith.constant 0 : i32
    %dma_start3A_28 = arith.constant 0 : i32
    %dma_start3A_29 = tpu.memref_slice %arg29[%dma_start3A_27, %dma_start3A_28] : memref<10048x128xf32, #tpu.memory_space<vmem_shared>> -> memref<10048x128xf32, #tpu.memory_space<vmem_shared>>
    tpu.enqueue_indirect_dma source(%arg14 : memref<128x128xf32, #tpu.memory_space<vmem>>) target(%dma_start3A_29 : memref<10048x128xf32, #tpu.memory_space<vmem_shared>>) offsets(%arg11 : memref<128xi32, #tpu.memory_space<vmem>>) semaphore(%arg26 : memref<!tpu.dma_semaphore, #tpu.memory_space<semaphore_mem>>) {add = true}
    %dma_start3A_30 = arith.constant 2 : i32
    %dma_start3A_31 = arith.constant 0 : i32
    %dma_start3A_32 = tpu.memref_slice %arg4[%add3A, %dma_start3A_30, %dma_start3A_31] : memref<32x79x128xi32, #tpu.memory_space<hbm>> -> memref<1x1x128xi32, #tpu.memory_space<hbm>>
    %dma_start3A_33 = tpu.memref_squeeze %dma_start3A_32 : memref<1x1x128xi32, #tpu.memory_space<hbm>> -> memref<128xi32, #tpu.memory_space<hbm>>
    %dma_start3A_34 = arith.constant 0 : i32
    %dma_start3A_35 = tpu.memref_slice %arg4[%add3A, %dma_start3A_30, %dma_start3A_34] : memref<32x79x128xi32, #tpu.memory_space<hbm>> -> memref<1x1x128xi32, #tpu.memory_space<hbm>>
    %dma_start3A_36 = tpu.memref_squeeze %dma_start3A_35 : memref<1x1x128xi32, #tpu.memory_space<hbm>> -> memref<128xi32, #tpu.memory_space<hbm>>
    tpu.enqueue_dma source(%dma_start3A_36 : memref<128xi32, #tpu.memory_space<hbm>>) target(%arg13 : memref<128xi32, #tpu.memory_space<vmem>>) target_semaphore(%arg22 : memref<!tpu.dma_semaphore, #tpu.memory_space<semaphore_mem>>)
    %dma_start3A_37 = arith.constant 0 : i32
    %dma_start3A_38 = arith.constant 0 : i32
    %dma_start3A_39 = tpu.memref_slice %arg2[%dma_start3A_37, %dma_start3A_38] : memref<10000x128xf32, #tpu.memory_space<hbm>> -> memref<10000x128xf32, #tpu.memory_space<hbm>>
    tpu.enqueue_indirect_dma source(%dma_start3A_39 : memref<10000x128xf32, #tpu.memory_space<hbm>>) target(%arg16 : memref<128x128xf32, #tpu.memory_space<vmem>>) offsets(%arg10 : memref<128xi32, #tpu.memory_space<vmem>>) semaphore(%arg25 : memref<!tpu.dma_semaphore, #tpu.memory_space<semaphore_mem>>)
    %scan3A = arith.constant 0 : i32
    %scan3A_40 = arith.constant 0 : i32
    %scan3A_41 = arith.constant 26 : i32
    %scan3A_42 = arith.addi %scan3A_40, %scan3A_41 : i32
    %scan3A_43 = arith.constant 1 : i32
    scf.for %scan3A_63 = %scan3A_40 to %scan3A_42 step %scan3A_43  : i32 {
      %mul3A_64 = arith.constant 3 : i32
      %mul3A_65 = arith.muli %mul3A_64, %scan3A_63 : i32
      %add3A_66 = arith.constant 1 : i32
      %add3A_67 = arith.addi %mul3A_65, %add3A_66 : i32
      %add3A_68 = arith.constant 0 : i32
      %add3A_69 = arith.addi %add3A_67, %add3A_68 : i32
      %dma_wait3A_70 = arith.constant 0 : i32
      %dma_wait3A_71 = arith.constant 0 : i32
      %dma_wait3A_72 = tpu.memref_slice %arg2[%dma_wait3A_70, %dma_wait3A_71] : memref<10000x128xf32, #tpu.memory_space<hbm>> -> memref<10000x128xf32, #tpu.memory_space<hbm>>
      tpu.wait_indirect_dma semaphore(%arg24 : memref<!tpu.dma_semaphore, #tpu.memory_space<semaphore_mem>>) src(%dma_wait3A_72 : memref<10000x128xf32, #tpu.memory_space<hbm>>) dst(%arg15 : memref<128x128xf32, #tpu.memory_space<vmem>>)
      %lt3A_73 = arith.constant 25 : i32
      %lt3A_74 = arith.cmpi slt, %scan3A_63, %lt3A_73 : i32
      %convert_element_type3A_75 = arith.extui %lt3A_74 : i1 to i32
      %cond3A_76 = arith.constant 0 : i32
      %cond3A_77 = arith.cmpi ne, %convert_element_type3A_75, %cond3A_76 : i32
      scf.if %cond3A_77 {
        %add3A_173 = arith.constant 3 : i32
        %add3A_174 = arith.addi %add3A_69, %add3A_173 : i32
        %dma_start3A_175 = arith.constant 0 : i32
        %dma_start3A_176 = tpu.memref_slice %arg3[%add3A, %add3A_174, %dma_start3A_175] : memref<32x79x128xi32, #tpu.memory_space<hbm>> -> memref<1x1x128xi32, #tpu.memory_space<hbm>>
        %dma_start3A_177 = tpu.memref_squeeze %dma_start3A_176 : memref<1x1x128xi32, #tpu.memory_space<hbm>> -> memref<128xi32, #tpu.memory_space<hbm>>
        %dma_start3A_178 = arith.constant 0 : i32
        %dma_start3A_179 = tpu.memref_slice %arg3[%add3A, %add3A_174, %dma_start3A_178] : memref<32x79x128xi32, #tpu.memory_space<hbm>> -> memref<1x1x128xi32, #tpu.memory_space<hbm>>
        %dma_start3A_180 = tpu.memref_squeeze %dma_start3A_179 : memref<1x1x128xi32, #tpu.memory_space<hbm>> -> memref<128xi32, #tpu.memory_space<hbm>>
        tpu.enqueue_dma source(%dma_start3A_180 : memref<128xi32, #tpu.memory_space<hbm>>) target(%arg9 : memref<128xi32, #tpu.memory_space<vmem>>) target_semaphore(%arg18 : memref<!tpu.dma_semaphore, #tpu.memory_space<semaphore_mem>>)
      } else {
      }
      %dma_wait3A_78 = arith.constant 0 : i32
      %dma_wait3A_79 = arith.constant 0 : i32
      %dma_wait3A_80 = tpu.memref_slice %arg4[%add3A, %dma_wait3A_78, %dma_wait3A_79] : memref<32x79x128xi32, #tpu.memory_space<hbm>> -> memref<1x1x128xi32, #tpu.memory_space<hbm>>
      %dma_wait3A_81 = tpu.memref_squeeze %dma_wait3A_80 : memref<1x1x128xi32, #tpu.memory_space<hbm>> -> memref<128xi32, #tpu.memory_space<hbm>>
      %dma_wait3A_82 = arith.constant 0 : i32
      %dma_wait3A_83 = tpu.memref_slice %arg4[%add3A, %dma_wait3A_78, %dma_wait3A_82] : memref<32x79x128xi32, #tpu.memory_space<hbm>> -> memref<1x1x128xi32, #tpu.memory_space<hbm>>
      %dma_wait3A_84 = tpu.memref_squeeze %dma_wait3A_83 : memref<1x1x128xi32, #tpu.memory_space<hbm>> -> memref<128xi32, #tpu.memory_space<hbm>>
      tpu.wait_dma2 semaphore(%arg21 : memref<!tpu.dma_semaphore, #tpu.memory_space<semaphore_mem>>) src(%dma_wait3A_84 : memref<128xi32, #tpu.memory_space<hbm>>) dst(%arg12 : memref<128xi32, #tpu.memory_space<vmem>>)
      %dma_start3A_85 = arith.constant 0 : i32
      %dma_start3A_86 = arith.constant 0 : i32
      %dma_start3A_87 = tpu.memref_slice %arg29[%dma_start3A_85, %dma_start3A_86] : memref<10048x128xf32, #tpu.memory_space<vmem_shared>> -> memref<10048x128xf32, #tpu.memory_space<vmem_shared>>
      tpu.enqueue_indirect_dma source(%arg15 : memref<128x128xf32, #tpu.memory_space<vmem>>) target(%dma_start3A_87 : memref<10048x128xf32, #tpu.memory_space<vmem_shared>>) offsets(%arg12 : memref<128xi32, #tpu.memory_space<vmem>>) semaphore(%arg27 : memref<!tpu.dma_semaphore, #tpu.memory_space<semaphore_mem>>) {add = true}
      %dma_wait3A_88 = arith.constant 0 : i32
      %dma_wait3A_89 = arith.constant 0 : i32
      %dma_wait3A_90 = tpu.memref_slice %arg29[%dma_wait3A_88, %dma_wait3A_89] : memref<10048x128xf32, #tpu.memory_space<vmem_shared>> -> memref<10048x128xf32, #tpu.memory_space<vmem_shared>>
      tpu.wait_indirect_dma semaphore(%arg26 : memref<!tpu.dma_semaphore, #tpu.memory_space<semaphore_mem>>) src(%arg14 : memref<128x128xf32, #tpu.memory_space<vmem>>) dst(%dma_wait3A_90 : memref<10048x128xf32, #tpu.memory_space<vmem_shared>>)
      %add3A_91 = arith.constant 2 : i32
      %add3A_92 = arith.addi %add3A_69, %add3A_91 : i32
      %dma_start3A_93 = arith.constant 0 : i32
      %dma_start3A_94 = tpu.memref_slice %arg4[%add3A, %add3A_92, %dma_start3A_93] : memref<32x79x128xi32, #tpu.memory_space<hbm>> -> memref<1x1x128xi32, #tpu.memory_space<hbm>>
      %dma_start3A_95 = tpu.memref_squeeze %dma_start3A_94 : memref<1x1x128xi32, #tpu.memory_space<hbm>> -> memref<128xi32, #tpu.memory_space<hbm>>
      %dma_start3A_96 = arith.constant 0 : i32
      %dma_start3A_97 = tpu.memref_slice %arg4[%add3A, %add3A_92, %dma_start3A_96] : memref<32x79x128xi32, #tpu.memory_space<hbm>> -> memref<1x1x128xi32, #tpu.memory_space<hbm>>
      %dma_start3A_98 = tpu.memref_squeeze %dma_start3A_97 : memref<1x1x128xi32, #tpu.memory_space<hbm>> -> memref<128xi32, #tpu.memory_space<hbm>>
      tpu.enqueue_dma source(%dma_start3A_98 : memref<128xi32, #tpu.memory_space<hbm>>) target(%arg11 : memref<128xi32, #tpu.memory_space<vmem>>) target_semaphore(%arg20 : memref<!tpu.dma_semaphore, #tpu.memory_space<semaphore_mem>>)
      %dma_wait3A_99 = arith.constant 0 : i32
      %dma_wait3A_100 = arith.constant 0 : i32
      %dma_wait3A_101 = tpu.memref_slice %arg3[%add3A, %dma_wait3A_99, %dma_wait3A_100] : memref<32x79x128xi32, #tpu.memory_space<hbm>> -> memref<1x1x128xi32, #tpu.memory_space<hbm>>
      %dma_wait3A_102 = tpu.memref_squeeze %dma_wait3A_101 : memref<1x1x128xi32, #tpu.memory_space<hbm>> -> memref<128xi32, #tpu.memory_space<hbm>>
      %dma_wait3A_103 = arith.constant 0 : i32
      %dma_wait3A_104 = tpu.memref_slice %arg3[%add3A, %dma_wait3A_99, %dma_wait3A_103] : memref<32x79x128xi32, #tpu.memory_space<hbm>> -> memref<1x1x128xi32, #tpu.memory_space<hbm>>
      %dma_wait3A_105 = tpu.memref_squeeze %dma_wait3A_104 : memref<1x1x128xi32, #tpu.memory_space<hbm>> -> memref<128xi32, #tpu.memory_space<hbm>>
      tpu.wait_dma2 semaphore(%arg17 : memref<!tpu.dma_semaphore, #tpu.memory_space<semaphore_mem>>) src(%dma_wait3A_105 : memref<128xi32, #tpu.memory_space<hbm>>) dst(%arg8 : memref<128xi32, #tpu.memory_space<vmem>>)
      %dma_start3A_106 = arith.constant 0 : i32
      %dma_start3A_107 = arith.constant 0 : i32
      %dma_start3A_108 = tpu.memref_slice %arg2[%dma_start3A_106, %dma_start3A_107] : memref<10000x128xf32, #tpu.memory_space<hbm>> -> memref<10000x128xf32, #tpu.memory_space<hbm>>
      tpu.enqueue_indirect_dma source(%dma_start3A_108 : memref<10000x128xf32, #tpu.memory_space<hbm>>) target(%arg14 : memref<128x128xf32, #tpu.memory_space<vmem>>) offsets(%arg8 : memref<128xi32, #tpu.memory_space<vmem>>) semaphore(%arg23 : memref<!tpu.dma_semaphore, #tpu.memory_space<semaphore_mem>>)
      %mul3A_109 = arith.constant 3 : i32
      %mul3A_110 = arith.muli %mul3A_109, %scan3A_63 : i32
      %add3A_111 = arith.constant 1 : i32
      %add3A_112 = arith.addi %mul3A_110, %add3A_111 : i32
      %add3A_113 = arith.constant 1 : i32
      %add3A_114 = arith.addi %add3A_112, %add3A_113 : i32
      %dma_wait3A_115 = arith.constant 0 : i32
      %dma_wait3A_116 = arith.constant 0 : i32
      %dma_wait3A_117 = tpu.memref_slice %arg2[%dma_wait3A_115, %dma_wait3A_116] : memref<10000x128xf32, #tpu.memory_space<hbm>> -> memref<10000x128xf32, #tpu.memory_space<hbm>>
      tpu.wait_indirect_dma semaphore(%arg25 : memref<!tpu.dma_semaphore, #tpu.memory_space<semaphore_mem>>) src(%dma_wait3A_117 : memref<10000x128xf32, #tpu.memory_space<hbm>>) dst(%arg16 : memref<128x128xf32, #tpu.memory_space<vmem>>)
      %lt3A_118 = arith.constant 25 : i32
      %lt3A_119 = arith.cmpi slt, %scan3A_63, %lt3A_118 : i32
      %convert_element_type3A_120 = arith.extui %lt3A_119 : i1 to i32
      %cond3A_121 = arith.constant 0 : i32
      %cond3A_122 = arith.cmpi ne, %convert_element_type3A_120, %cond3A_121 : i32
      scf.if %cond3A_122 {
        %add3A_173 = arith.constant 3 : i32
        %add3A_174 = arith.addi %add3A_114, %add3A_173 : i32
        %dma_start3A_175 = arith.constant 0 : i32
        %dma_start3A_176 = tpu.memref_slice %arg3[%add3A, %add3A_174, %dma_start3A_175] : memref<32x79x128xi32, #tpu.memory_space<hbm>> -> memref<1x1x128xi32, #tpu.memory_space<hbm>>
        %dma_start3A_177 = tpu.memref_squeeze %dma_start3A_176 : memref<1x1x128xi32, #tpu.memory_space<hbm>> -> memref<128xi32, #tpu.memory_space<hbm>>
        %dma_start3A_178 = arith.constant 0 : i32
        %dma_start3A_179 = tpu.memref_slice %arg3[%add3A, %add3A_174, %dma_start3A_178] : memref<32x79x128xi32, #tpu.memory_space<hbm>> -> memref<1x1x128xi32, #tpu.memory_space<hbm>>
        %dma_start3A_180 = tpu.memref_squeeze %dma_start3A_179 : memref<1x1x128xi32, #tpu.memory_space<hbm>> -> memref<128xi32, #tpu.memory_space<hbm>>
        tpu.enqueue_dma source(%dma_start3A_180 : memref<128xi32, #tpu.memory_space<hbm>>) target(%arg10 : memref<128xi32, #tpu.memory_space<vmem>>) target_semaphore(%arg19 : memref<!tpu.dma_semaphore, #tpu.memory_space<semaphore_mem>>)
      } else {
      }
      %dma_wait3A_123 = arith.constant 0 : i32
      %dma_wait3A_124 = arith.constant 0 : i32
      %dma_wait3A_125 = tpu.memref_slice %arg4[%add3A, %dma_wait3A_123, %dma_wait3A_124] : memref<32x79x128xi32, #tpu.memory_space<hbm>> -> memref<1x1x128xi32, #tpu.memory_space<hbm>>
      %dma_wait3A_126 = tpu.memref_squeeze %dma_wait3A_125 : memref<1x1x128xi32, #tpu.memory_space<hbm>> -> memref<128xi32, #tpu.memory_space<hbm>>
      %dma_wait3A_127 = arith.constant 0 : i32
      %dma_wait3A_128 = tpu.memref_slice %arg4[%add3A, %dma_wait3A_123, %dma_wait3A_127] : memref<32x79x128xi32, #tpu.memory_space<hbm>> -> memref<1x1x128xi32, #tpu.memory_space<hbm>>
      %dma_wait3A_129 = tpu.memref_squeeze %dma_wait3A_128 : memref<1x1x128xi32, #tpu.memory_space<hbm>> -> memref<128xi32, #tpu.memory_space<hbm>>
      tpu.wait_dma2 semaphore(%arg22 : memref<!tpu.dma_semaphore, #tpu.memory_space<semaphore_mem>>) src(%dma_wait3A_129 : memref<128xi32, #tpu.memory_space<hbm>>) dst(%arg13 : memref<128xi32, #tpu.memory_space<vmem>>)
      %dma_start3A_130 = arith.constant 0 : i32
      %dma_start3A_131 = arith.constant 0 : i32
      %dma_start3A_132 = tpu.memref_slice %arg29[%dma_start3A_130, %dma_start3A_131] : memref<10048x128xf32, #tpu.memory_space<vmem_shared>> -> memref<10048x128xf32, #tpu.memory_space<vmem_shared>>
      tpu.enqueue_indirect_dma source(%arg16 : memref<128x128xf32, #tpu.memory_space<vmem>>) target(%dma_start3A_132 : memref<10048x128xf32, #tpu.memory_space<vmem_shared>>) offsets(%arg13 : memref<128xi32, #tpu.memory_space<vmem>>) semaphore(%arg28 : memref<!tpu.dma_semaphore, #tpu.memory_space<semaphore_mem>>) {add = true}
      %dma_wait3A_133 = arith.constant 0 : i32
      %dma_wait3A_134 = arith.constant 0 : i32
      %dma_wait3A_135 = tpu.memref_slice %arg29[%dma_wait3A_133, %dma_wait3A_134] : memref<10048x128xf32, #tpu.memory_space<vmem_shared>> -> memref<10048x128xf32, #tpu.memory_space<vmem_shared>>
      tpu.wait_indirect_dma semaphore(%arg27 : memref<!tpu.dma_semaphore, #tpu.memory_space<semaphore_mem>>) src(%arg15 : memref<128x128xf32, #tpu.memory_space<vmem>>) dst(%dma_wait3A_135 : memref<10048x128xf32, #tpu.memory_space<vmem_shared>>)
      %lt3A_136 = arith.constant 25 : i32
      %lt3A_137 = arith.cmpi slt, %scan3A_63, %lt3A_136 : i32
      %convert_element_type3A_138 = arith.extui %lt3A_137 : i1 to i32
      %cond3A_139 = arith.constant 0 : i32
      %cond3A_140 = arith.cmpi ne, %convert_element_type3A_138, %cond3A_139 : i32
      scf.if %cond3A_140 {
        %add3A_173 = arith.constant 2 : i32
        %add3A_174 = arith.addi %add3A_114, %add3A_173 : i32
        %dma_start3A_175 = arith.constant 0 : i32
        %dma_start3A_176 = tpu.memref_slice %arg4[%add3A, %add3A_174, %dma_start3A_175] : memref<32x79x128xi32, #tpu.memory_space<hbm>> -> memref<1x1x128xi32, #tpu.memory_space<hbm>>
        %dma_start3A_177 = tpu.memref_squeeze %dma_start3A_176 : memref<1x1x128xi32, #tpu.memory_space<hbm>> -> memref<128xi32, #tpu.memory_space<hbm>>
        %dma_start3A_178 = arith.constant 0 : i32
        %dma_start3A_179 = tpu.memref_slice %arg4[%add3A, %add3A_174, %dma_start3A_178] : memref<32x79x128xi32, #tpu.memory_space<hbm>> -> memref<1x1x128xi32, #tpu.memory_space<hbm>>
        %dma_start3A_180 = tpu.memref_squeeze %dma_start3A_179 : memref<1x1x128xi32, #tpu.memory_space<hbm>> -> memref<128xi32, #tpu.memory_space<hbm>>
        tpu.enqueue_dma source(%dma_start3A_180 : memref<128xi32, #tpu.memory_space<hbm>>) target(%arg12 : memref<128xi32, #tpu.memory_space<vmem>>) target_semaphore(%arg21 : memref<!tpu.dma_semaphore, #tpu.memory_space<semaphore_mem>>)
        %dma_wait3A_181 = arith.constant 0 : i32
        %dma_wait3A_182 = arith.constant 0 : i32
        %dma_wait3A_183 = tpu.memref_slice %arg3[%add3A, %dma_wait3A_181, %dma_wait3A_182] : memref<32x79x128xi32, #tpu.memory_space<hbm>> -> memref<1x1x128xi32, #tpu.memory_space<hbm>>
        %dma_wait3A_184 = tpu.memref_squeeze %dma_wait3A_183 : memref<1x1x128xi32, #tpu.memory_space<hbm>> -> memref<128xi32, #tpu.memory_space<hbm>>
        %dma_wait3A_185 = arith.constant 0 : i32
        %dma_wait3A_186 = tpu.memref_slice %arg3[%add3A, %dma_wait3A_181, %dma_wait3A_185] : memref<32x79x128xi32, #tpu.memory_space<hbm>> -> memref<1x1x128xi32, #tpu.memory_space<hbm>>
        %dma_wait3A_187 = tpu.memref_squeeze %dma_wait3A_186 : memref<1x1x128xi32, #tpu.memory_space<hbm>> -> memref<128xi32, #tpu.memory_space<hbm>>
        tpu.wait_dma2 semaphore(%arg18 : memref<!tpu.dma_semaphore, #tpu.memory_space<semaphore_mem>>) src(%dma_wait3A_187 : memref<128xi32, #tpu.memory_space<hbm>>) dst(%arg9 : memref<128xi32, #tpu.memory_space<vmem>>)
        %dma_start3A_188 = arith.constant 0 : i32
        %dma_start3A_189 = arith.constant 0 : i32
        %dma_start3A_190 = tpu.memref_slice %arg2[%dma_start3A_188, %dma_start3A_189] : memref<10000x128xf32, #tpu.memory_space<hbm>> -> memref<10000x128xf32, #tpu.memory_space<hbm>>
        tpu.enqueue_indirect_dma source(%dma_start3A_190 : memref<10000x128xf32, #tpu.memory_space<hbm>>) target(%arg15 : memref<128x128xf32, #tpu.memory_space<vmem>>) offsets(%arg9 : memref<128xi32, #tpu.memory_space<vmem>>) semaphore(%arg24 : memref<!tpu.dma_semaphore, #tpu.memory_space<semaphore_mem>>)
      } else {
      }
      %mul3A_141 = arith.constant 3 : i32
      %mul3A_142 = arith.muli %mul3A_141, %scan3A_63 : i32
      %add3A_143 = arith.constant 1 : i32
      %add3A_144 = arith.addi %mul3A_142, %add3A_143 : i32
      %add3A_145 = arith.constant 2 : i32
      %add3A_146 = arith.addi %add3A_144, %add3A_145 : i32
      %dma_wait3A_147 = arith.constant 0 : i32
      %dma_wait3A_148 = arith.constant 0 : i32
      %dma_wait3A_149 = tpu.memref_slice %arg2[%dma_wait3A_147, %dma_wait3A_148] : memref<10000x128xf32, #tpu.memory_space<hbm>> -> memref<10000x128xf32, #tpu.memory_space<hbm>>
      tpu.wait_indirect_dma semaphore(%arg23 : memref<!tpu.dma_semaphore, #tpu.memory_space<semaphore_mem>>) src(%dma_wait3A_149 : memref<10000x128xf32, #tpu.memory_space<hbm>>) dst(%arg14 : memref<128x128xf32, #tpu.memory_space<vmem>>)
      %lt3A_150 = arith.constant 25 : i32
      %lt3A_151 = arith.cmpi slt, %scan3A_63, %lt3A_150 : i32
      %convert_element_type3A_152 = arith.extui %lt3A_151 : i1 to i32
      %cond3A_153 = arith.constant 0 : i32
      %cond3A_154 = arith.cmpi ne, %convert_element_type3A_152, %cond3A_153 : i32
      scf.if %cond3A_154 {
        %add3A_173 = arith.constant 3 : i32
        %add3A_174 = arith.addi %add3A_146, %add3A_173 : i32
        %dma_start3A_175 = arith.constant 0 : i32
        %dma_start3A_176 = tpu.memref_slice %arg3[%add3A, %add3A_174, %dma_start3A_175] : memref<32x79x128xi32, #tpu.memory_space<hbm>> -> memref<1x1x128xi32, #tpu.memory_space<hbm>>
        %dma_start3A_177 = tpu.memref_squeeze %dma_start3A_176 : memref<1x1x128xi32, #tpu.memory_space<hbm>> -> memref<128xi32, #tpu.memory_space<hbm>>
        %dma_start3A_178 = arith.constant 0 : i32
        %dma_start3A_179 = tpu.memref_slice %arg3[%add3A, %add3A_174, %dma_start3A_178] : memref<32x79x128xi32, #tpu.memory_space<hbm>> -> memref<1x1x128xi32, #tpu.memory_space<hbm>>
        %dma_start3A_180 = tpu.memref_squeeze %dma_start3A_179 : memref<1x1x128xi32, #tpu.memory_space<hbm>> -> memref<128xi32, #tpu.memory_space<hbm>>
        tpu.enqueue_dma source(%dma_start3A_180 : memref<128xi32, #tpu.memory_space<hbm>>) target(%arg8 : memref<128xi32, #tpu.memory_space<vmem>>) target_semaphore(%arg17 : memref<!tpu.dma_semaphore, #tpu.memory_space<semaphore_mem>>)
      } else {
      }
      %dma_wait3A_155 = arith.constant 0 : i32
      %dma_wait3A_156 = arith.constant 0 : i32
      %dma_wait3A_157 = tpu.memref_slice %arg4[%add3A, %dma_wait3A_155, %dma_wait3A_156] : memref<32x79x128xi32, #tpu.memory_space<hbm>> -> memref<1x1x128xi32, #tpu.memory_space<hbm>>
      %dma_wait3A_158 = tpu.memref_squeeze %dma_wait3A_157 : memref<1x1x128xi32, #tpu.memory_space<hbm>> -> memref<128xi32, #tpu.memory_space<hbm>>
      %dma_wait3A_159 = arith.constant 0 : i32
      %dma_wait3A_160 = tpu.memref_slice %arg4[%add3A, %dma_wait3A_155, %dma_wait3A_159] : memref<32x79x128xi32, #tpu.memory_space<hbm>> -> memref<1x1x128xi32, #tpu.memory_space<hbm>>
      %dma_wait3A_161 = tpu.memref_squeeze %dma_wait3A_160 : memref<1x1x128xi32, #tpu.memory_space<hbm>> -> memref<128xi32, #tpu.memory_space<hbm>>
      tpu.wait_dma2 semaphore(%arg20 : memref<!tpu.dma_semaphore, #tpu.memory_space<semaphore_mem>>) src(%dma_wait3A_161 : memref<128xi32, #tpu.memory_space<hbm>>) dst(%arg11 : memref<128xi32, #tpu.memory_space<vmem>>)
      %dma_start3A_162 = arith.constant 0 : i32
      %dma_start3A_163 = arith.constant 0 : i32
      %dma_start3A_164 = tpu.memref_slice %arg29[%dma_start3A_162, %dma_start3A_163] : memref<10048x128xf32, #tpu.memory_space<vmem_shared>> -> memref<10048x128xf32, #tpu.memory_space<vmem_shared>>
      tpu.enqueue_indirect_dma source(%arg14 : memref<128x128xf32, #tpu.memory_space<vmem>>) target(%dma_start3A_164 : memref<10048x128xf32, #tpu.memory_space<vmem_shared>>) offsets(%arg11 : memref<128xi32, #tpu.memory_space<vmem>>) semaphore(%arg26 : memref<!tpu.dma_semaphore, #tpu.memory_space<semaphore_mem>>) {add = true}
      %dma_wait3A_165 = arith.constant 0 : i32
      %dma_wait3A_166 = arith.constant 0 : i32
      %dma_wait3A_167 = tpu.memref_slice %arg29[%dma_wait3A_165, %dma_wait3A_166] : memref<10048x128xf32, #tpu.memory_space<vmem_shared>> -> memref<10048x128xf32, #tpu.memory_space<vmem_shared>>
      tpu.wait_indirect_dma semaphore(%arg28 : memref<!tpu.dma_semaphore, #tpu.memory_space<semaphore_mem>>) src(%arg16 : memref<128x128xf32, #tpu.memory_space<vmem>>) dst(%dma_wait3A_167 : memref<10048x128xf32, #tpu.memory_space<vmem_shared>>)
      %lt3A_168 = arith.constant 25 : i32
      %lt3A_169 = arith.cmpi slt, %scan3A_63, %lt3A_168 : i32
      %convert_element_type3A_170 = arith.extui %lt3A_169 : i1 to i32
      %cond3A_171 = arith.constant 0 : i32
      %cond3A_172 = arith.cmpi ne, %convert_element_type3A_170, %cond3A_171 : i32
      scf.if %cond3A_172 {
        %add3A_173 = arith.constant 2 : i32
        %add3A_174 = arith.addi %add3A_146, %add3A_173 : i32
        %dma_start3A_175 = arith.constant 0 : i32
        %dma_start3A_176 = tpu.memref_slice %arg4[%add3A, %add3A_174, %dma_start3A_175] : memref<32x79x128xi32, #tpu.memory_space<hbm>> -> memref<1x1x128xi32, #tpu.memory_space<hbm>>
        %dma_start3A_177 = tpu.memref_squeeze %dma_start3A_176 : memref<1x1x128xi32, #tpu.memory_space<hbm>> -> memref<128xi32, #tpu.memory_space<hbm>>
        %dma_start3A_178 = arith.constant 0 : i32
        %dma_start3A_179 = tpu.memref_slice %arg4[%add3A, %add3A_174, %dma_start3A_178] : memref<32x79x128xi32, #tpu.memory_space<hbm>> -> memref<1x1x128xi32, #tpu.memory_space<hbm>>
        %dma_start3A_180 = tpu.memref_squeeze %dma_start3A_179 : memref<1x1x128xi32, #tpu.memory_space<hbm>> -> memref<128xi32, #tpu.memory_space<hbm>>
        tpu.enqueue_dma source(%dma_start3A_180 : memref<128xi32, #tpu.memory_space<hbm>>) target(%arg13 : memref<128xi32, #tpu.memory_space<vmem>>) target_semaphore(%arg22 : memref<!tpu.dma_semaphore, #tpu.memory_space<semaphore_mem>>)
        %dma_wait3A_181 = arith.constant 0 : i32
        %dma_wait3A_182 = arith.constant 0 : i32
        %dma_wait3A_183 = tpu.memref_slice %arg3[%add3A, %dma_wait3A_181, %dma_wait3A_182] : memref<32x79x128xi32, #tpu.memory_space<hbm>> -> memref<1x1x128xi32, #tpu.memory_space<hbm>>
        %dma_wait3A_184 = tpu.memref_squeeze %dma_wait3A_183 : memref<1x1x128xi32, #tpu.memory_space<hbm>> -> memref<128xi32, #tpu.memory_space<hbm>>
        %dma_wait3A_185 = arith.constant 0 : i32
        %dma_wait3A_186 = tpu.memref_slice %arg3[%add3A, %dma_wait3A_181, %dma_wait3A_185] : memref<32x79x128xi32, #tpu.memory_space<hbm>> -> memref<1x1x128xi32, #tpu.memory_space<hbm>>
        %dma_wait3A_187 = tpu.memref_squeeze %dma_wait3A_186 : memref<1x1x128xi32, #tpu.memory_space<hbm>> -> memref<128xi32, #tpu.memory_space<hbm>>
        tpu.wait_dma2 semaphore(%arg19 : memref<!tpu.dma_semaphore, #tpu.memory_space<semaphore_mem>>) src(%dma_wait3A_187 : memref<128xi32, #tpu.memory_space<hbm>>) dst(%arg10 : memref<128xi32, #tpu.memory_space<vmem>>)
        %dma_start3A_188 = arith.constant 0 : i32
        %dma_start3A_189 = arith.constant 0 : i32
        %dma_start3A_190 = tpu.memref_slice %arg2[%dma_start3A_188, %dma_start3A_189] : memref<10000x128xf32, #tpu.memory_space<hbm>> -> memref<10000x128xf32, #tpu.memory_space<hbm>>
        tpu.enqueue_indirect_dma source(%dma_start3A_190 : memref<10000x128xf32, #tpu.memory_space<hbm>>) target(%arg16 : memref<128x128xf32, #tpu.memory_space<vmem>>) offsets(%arg10 : memref<128xi32, #tpu.memory_space<vmem>>) semaphore(%arg25 : memref<!tpu.dma_semaphore, #tpu.memory_space<semaphore_mem>>)
      } else {
      }
    }
    %scan3A_44 = arith.constant 26 : i32
    %dma_wait3A_45 = arith.constant 0 : i32
    %dma_wait3A_46 = arith.constant 0 : i32
    %dma_wait3A_47 = tpu.memref_slice %arg29[%dma_wait3A_45, %dma_wait3A_46] : memref<10048x128xf32, #tpu.memory_space<vmem_shared>> -> memref<10048x128xf32, #tpu.memory_space<vmem_shared>>
    tpu.wait_indirect_dma semaphore(%arg26 : memref<!tpu.dma_semaphore, #tpu.memory_space<semaphore_mem>>) src(%arg14 : memref<128x128xf32, #tpu.memory_space<vmem>>) dst(%dma_wait3A_47 : memref<10048x128xf32, #tpu.memory_space<vmem_shared>>)
    %barrier3A_48 = arith.constant 0 : index
    tpu.barrier barrier_id(%barrier3A_48)
    %eq3A = arith.constant 0 : i32
    %eq3A_49 = arith.cmpi eq, %arg0, %eq3A : i32
    %lt3A_50 = arith.constant 10 : i32
    %lt3A_51 = arith.cmpi slt, %arg1, %lt3A_50 : i32
    %and3A = arith.andi %eq3A_49, %lt3A_51 : i1
    %convert_element_type3A_52 = arith.extui %and3A : i1 to i32
    %cond3A_53 = arith.constant 0 : i32
    %cond3A_54 = arith.cmpi ne, %convert_element_type3A_52, %cond3A_53 : i32
    scf.if %cond3A_54 {
      %mul3A_63 = arith.constant 1000 : i32
      %mul3A_64 = arith.muli %arg1, %mul3A_63 : i32
      %mul3A_65 = arith.constant 1000 : i32
      %mul3A_66 = arith.muli %arg1, %mul3A_65 : i32
      "tpu.region"() ({
        %run_scoped3A_67 = tpu.sem_alloc : memref<!tpu.dma_semaphore, #tpu.memory_space<semaphore_mem>>
        %dma_start3A_68 = arith.constant 0 : i32
        %dma_start3A_69 = tpu.memref_slice %arg6[%mul3A_66, %dma_start3A_68] : memref<10000x128xf32, #tpu.memory_space<hbm>> -> memref<1000x128xf32, #tpu.memory_space<hbm>>
        %dma_start3A_70 = arith.constant 0 : i32
        %dma_start3A_71 = tpu.memref_slice %arg29[%mul3A_64, %dma_start3A_70] : memref<10048x128xf32, #tpu.memory_space<vmem_shared>> -> memref<1000x128xf32, #tpu.memory_space<vmem_shared>>
        tpu.enqueue_dma source(%dma_start3A_71 : memref<1000x128xf32, #tpu.memory_space<vmem_shared>>) target(%dma_start3A_69 : memref<1000x128xf32, #tpu.memory_space<hbm>>) target_semaphore(%run_scoped3A_67 : memref<!tpu.dma_semaphore, #tpu.memory_space<semaphore_mem>>)
        %dma_wait3A_72 = arith.constant 0 : i32
        %dma_wait3A_73 = tpu.memref_slice %arg6[%mul3A_66, %dma_wait3A_72] : memref<10000x128xf32, #tpu.memory_space<hbm>> -> memref<1000x128xf32, #tpu.memory_space<hbm>>
        %dma_wait3A_74 = arith.constant 0 : i32
        %dma_wait3A_75 = tpu.memref_slice %arg29[%mul3A_64, %dma_wait3A_74] : memref<10048x128xf32, #tpu.memory_space<vmem_shared>> -> memref<1000x128xf32, #tpu.memory_space<vmem_shared>>
        tpu.wait_dma2 semaphore(%run_scoped3A_67 : memref<!tpu.dma_semaphore, #tpu.memory_space<semaphore_mem>>) src(%dma_wait3A_75 : memref<1000x128xf32, #tpu.memory_space<vmem_shared>>) dst(%dma_wait3A_73 : memref<1000x128xf32, #tpu.memory_space<hbm>>)
        tpu.yield
      }) : () -> ()
    } else {
    }
    %eq3A_55 = arith.constant 1 : i32
    %eq3A_56 = arith.cmpi eq, %arg0, %eq3A_55 : i32
    %lt3A_57 = arith.constant 10 : i32
    %lt3A_58 = arith.cmpi slt, %arg1, %lt3A_57 : i32
    %and3A_59 = arith.andi %eq3A_56, %lt3A_58 : i1
    %convert_element_type3A_60 = arith.extui %and3A_59 : i1 to i32
    %cond3A_61 = arith.constant 0 : i32
    %cond3A_62 = arith.cmpi ne, %convert_element_type3A_60, %cond3A_61 : i32
    scf.if %cond3A_62 {
      %mul3A_63 = arith.constant 1000 : i32
      %mul3A_64 = arith.muli %arg1, %mul3A_63 : i32
      %mul3A_65 = arith.constant 1000 : i32
      %mul3A_66 = arith.muli %arg1, %mul3A_65 : i32
      "tpu.region"() ({
        %run_scoped3A_67 = tpu.sem_alloc : memref<!tpu.dma_semaphore, #tpu.memory_space<semaphore_mem>>
        %dma_start3A_68 = arith.constant 0 : i32
        %dma_start3A_69 = tpu.memref_slice %arg7[%mul3A_66, %dma_start3A_68] : memref<10000x128xf32, #tpu.memory_space<hbm>> -> memref<1000x128xf32, #tpu.memory_space<hbm>>
        %dma_start3A_70 = arith.constant 0 : i32
        %dma_start3A_71 = tpu.memref_slice %arg29[%mul3A_64, %dma_start3A_70] : memref<10048x128xf32, #tpu.memory_space<vmem_shared>> -> memref<1000x128xf32, #tpu.memory_space<vmem_shared>>
        tpu.enqueue_dma source(%dma_start3A_71 : memref<1000x128xf32, #tpu.memory_space<vmem_shared>>) target(%dma_start3A_69 : memref<1000x128xf32, #tpu.memory_space<hbm>>) target_semaphore(%run_scoped3A_67 : memref<!tpu.dma_semaphore, #tpu.memory_space<semaphore_mem>>)
        %dma_wait3A_72 = arith.constant 0 : i32
        %dma_wait3A_73 = tpu.memref_slice %arg7[%mul3A_66, %dma_wait3A_72] : memref<10000x128xf32, #tpu.memory_space<hbm>> -> memref<1000x128xf32, #tpu.memory_space<hbm>>
        %dma_wait3A_74 = arith.constant 0 : i32
        %dma_wait3A_75 = tpu.memref_slice %arg29[%mul3A_64, %dma_wait3A_74] : memref<10048x128xf32, #tpu.memory_space<vmem_shared>> -> memref<1000x128xf32, #tpu.memory_space<vmem_shared>>
        tpu.wait_dma2 semaphore(%run_scoped3A_67 : memref<!tpu.dma_semaphore, #tpu.memory_space<semaphore_mem>>) src(%dma_wait3A_75 : memref<1000x128xf32, #tpu.memory_space<vmem_shared>>) dst(%dma_wait3A_73 : memref<1000x128xf32, #tpu.memory_space<hbm>>)
        tpu.yield
      }) : () -> ()
    } else {
    }
    return
  }
}

#map = affine_map<(d0, d1) -> (0, 0, 0)>
#map1 = affine_map<(d0, d1) -> (0)>
module attributes {stable_mosaic.version = 14 : i64} {
  func.func @_deg_body(%arg0: i32, %arg1: i32, %arg2: memref<32x79x128xi32, #tpu.memory_space<hbm>>, %arg3: memref<10240xf32, #tpu.memory_space<hbm>>, %arg4: memref<10240xf32, #tpu.memory_space<hbm>>, %arg5: memref<10240xf32, #tpu.memory_space<hbm>>, %arg6: memref<79x128xi32, #tpu.memory_space<vmem>>, %arg7: memref<128xf32, #tpu.memory_space<vmem>>, %arg8: memref<!tpu.dma_semaphore, #tpu.memory_space<semaphore_mem>>, %arg9: memref<10240xf32, #tpu.memory_space<vmem_shared>>) attributes {dimension_semantics = [#tpu.dimension_semantics<core_parallel>, #tpu.dimension_semantics<subcore_parallel>], iteration_bounds = array<i64: 2, 16>, scalar_prefetch = 0 : i64, scratch_operands = 4 : i64, tpu.core_type = #tpu.core_type<sc_vector_subcore>, window_params = [{transform_indices = #map}, {transform_indices = #map1}, {transform_indices = #map1}, {transform_indices = #map1}]} {
    %mul3A = arith.constant 16 : i32
    %mul3A_0 = arith.muli %arg0, %mul3A : i32
    %add3A = arith.addi %mul3A_0, %arg1 : i32
    %mul3A_1 = arith.constant 640 : i32
    %mul3A_2 = arith.muli %arg1, %mul3A_1 : i32
    %mul3A_3 = arith.constant 640 : i32
    %mul3A_4 = arith.muli %arg1, %mul3A_3 : i32
    "tpu.region"() ({
      %run_scoped3A = tpu.sem_alloc : memref<!tpu.dma_semaphore, #tpu.memory_space<semaphore_mem>>
      %dma_start3A = tpu.memref_slice %arg9[%mul3A_4] : memref<10240xf32, #tpu.memory_space<vmem_shared>> -> memref<640xf32, #tpu.memory_space<vmem_shared>>
      %dma_start3A_70 = tpu.memref_slice %arg3[%mul3A_2] : memref<10240xf32, #tpu.memory_space<hbm>> -> memref<640xf32, #tpu.memory_space<hbm>>
      tpu.enqueue_dma source(%dma_start3A_70 : memref<640xf32, #tpu.memory_space<hbm>>) target(%dma_start3A : memref<640xf32, #tpu.memory_space<vmem_shared>>) target_semaphore(%run_scoped3A : memref<!tpu.dma_semaphore, #tpu.memory_space<semaphore_mem>>)
      %dma_wait3A = tpu.memref_slice %arg9[%mul3A_4] : memref<10240xf32, #tpu.memory_space<vmem_shared>> -> memref<640xf32, #tpu.memory_space<vmem_shared>>
      %dma_wait3A_71 = tpu.memref_slice %arg3[%mul3A_2] : memref<10240xf32, #tpu.memory_space<hbm>> -> memref<640xf32, #tpu.memory_space<hbm>>
      tpu.wait_dma2 semaphore(%run_scoped3A : memref<!tpu.dma_semaphore, #tpu.memory_space<semaphore_mem>>) src(%dma_wait3A_71 : memref<640xf32, #tpu.memory_space<hbm>>) dst(%dma_wait3A : memref<640xf32, #tpu.memory_space<vmem_shared>>)
      tpu.yield
    }) : () -> ()
    "tpu.region"() ({
      %run_scoped3A = tpu.sem_alloc : memref<!tpu.dma_semaphore, #tpu.memory_space<semaphore_mem>>
      %dma_start3A = arith.constant 0 : i32
      %dma_start3A_70 = arith.constant 0 : i32
      %dma_start3A_71 = tpu.memref_slice %arg2[%add3A, %dma_start3A, %dma_start3A_70] : memref<32x79x128xi32, #tpu.memory_space<hbm>> -> memref<1x79x128xi32, #tpu.memory_space<hbm>>
      %dma_start3A_72 = tpu.memref_squeeze %dma_start3A_71 : memref<1x79x128xi32, #tpu.memory_space<hbm>> -> memref<79x128xi32, #tpu.memory_space<hbm>>
      %dma_start3A_73 = arith.constant 0 : i32
      %dma_start3A_74 = arith.constant 0 : i32
      %dma_start3A_75 = tpu.memref_slice %arg2[%add3A, %dma_start3A_73, %dma_start3A_74] : memref<32x79x128xi32, #tpu.memory_space<hbm>> -> memref<1x79x128xi32, #tpu.memory_space<hbm>>
      %dma_start3A_76 = tpu.memref_squeeze %dma_start3A_75 : memref<1x79x128xi32, #tpu.memory_space<hbm>> -> memref<79x128xi32, #tpu.memory_space<hbm>>
      tpu.enqueue_dma source(%dma_start3A_76 : memref<79x128xi32, #tpu.memory_space<hbm>>) target(%arg6 : memref<79x128xi32, #tpu.memory_space<vmem>>) target_semaphore(%run_scoped3A : memref<!tpu.dma_semaphore, #tpu.memory_space<semaphore_mem>>)
      %dma_wait3A = arith.constant 0 : i32
      %dma_wait3A_77 = arith.constant 0 : i32
      %dma_wait3A_78 = tpu.memref_slice %arg2[%add3A, %dma_wait3A, %dma_wait3A_77] : memref<32x79x128xi32, #tpu.memory_space<hbm>> -> memref<1x79x128xi32, #tpu.memory_space<hbm>>
      %dma_wait3A_79 = tpu.memref_squeeze %dma_wait3A_78 : memref<1x79x128xi32, #tpu.memory_space<hbm>> -> memref<79x128xi32, #tpu.memory_space<hbm>>
      %dma_wait3A_80 = arith.constant 0 : i32
      %dma_wait3A_81 = arith.constant 0 : i32
      %dma_wait3A_82 = tpu.memref_slice %arg2[%add3A, %dma_wait3A_80, %dma_wait3A_81] : memref<32x79x128xi32, #tpu.memory_space<hbm>> -> memref<1x79x128xi32, #tpu.memory_space<hbm>>
      %dma_wait3A_83 = tpu.memref_squeeze %dma_wait3A_82 : memref<1x79x128xi32, #tpu.memory_space<hbm>> -> memref<79x128xi32, #tpu.memory_space<hbm>>
      tpu.wait_dma2 semaphore(%run_scoped3A : memref<!tpu.dma_semaphore, #tpu.memory_space<semaphore_mem>>) src(%dma_wait3A_83 : memref<79x128xi32, #tpu.memory_space<hbm>>) dst(%arg6 : memref<79x128xi32, #tpu.memory_space<vmem>>)
      tpu.yield
    }) : () -> ()
    %broadcast_in_dim3A = arith.constant 1.000000e+00 : f32
    %broadcast_in_dim3A_5 = vector.broadcast %broadcast_in_dim3A : f32 to vector<16xf32>
    %swap3A = arith.constant 0 : index
    %swap3A_6 = tpu.vector_load %arg7[%swap3A] {strides = array<i32>} : memref<128xf32, #tpu.memory_space<vmem>>, vector<16xf32>,
    %swap3A_7 = vector.shape_cast %swap3A_6 : vector<16xf32> to vector<16xf32>
    %swap3A_8 = vector.shape_cast %broadcast_in_dim3A_5 : vector<16xf32> to vector<16xf32>
    tpu.vector_store %arg7[%swap3A], %swap3A_8 {strides = array<i32>} : memref<128xf32, #tpu.memory_space<vmem>>, vector<16xf32>,
    %broadcast_in_dim3A_9 = arith.constant 1.000000e+00 : f32
    %broadcast_in_dim3A_10 = vector.broadcast %broadcast_in_dim3A_9 : f32 to vector<16xf32>
    %swap3A_11 = arith.constant 16 : index
    %swap3A_12 = tpu.vector_load %arg7[%swap3A_11] {strides = array<i32>} : memref<128xf32, #tpu.memory_space<vmem>>, vector<16xf32>,
    %swap3A_13 = vector.shape_cast %swap3A_12 : vector<16xf32> to vector<16xf32>
    %swap3A_14 = vector.shape_cast %broadcast_in_dim3A_10 : vector<16xf32> to vector<16xf32>
    tpu.vector_store %arg7[%swap3A_11], %swap3A_14 {strides = array<i32>} : memref<128xf32, #tpu.memory_space<vmem>>, vector<16xf32>,
    %broadcast_in_dim3A_15 = arith.constant 1.000000e+00 : f32
    %broadcast_in_dim3A_16 = vector.broadcast %broadcast_in_dim3A_15 : f32 to vector<16xf32>
    %swap3A_17 = arith.constant 32 : index
    %swap3A_18 = tpu.vector_load %arg7[%swap3A_17] {strides = array<i32>} : memref<128xf32, #tpu.memory_space<vmem>>, vector<16xf32>,
    %swap3A_19 = vector.shape_cast %swap3A_18 : vector<16xf32> to vector<16xf32>
    %swap3A_20 = vector.shape_cast %broadcast_in_dim3A_16 : vector<16xf32> to vector<16xf32>
    tpu.vector_store %arg7[%swap3A_17], %swap3A_20 {strides = array<i32>} : memref<128xf32, #tpu.memory_space<vmem>>, vector<16xf32>,
    %broadcast_in_dim3A_21 = arith.constant 1.000000e+00 : f32
    %broadcast_in_dim3A_22 = vector.broadcast %broadcast_in_dim3A_21 : f32 to vector<16xf32>
    %swap3A_23 = arith.constant 48 : index
    %swap3A_24 = tpu.vector_load %arg7[%swap3A_23] {strides = array<i32>} : memref<128xf32, #tpu.memory_space<vmem>>, vector<16xf32>,
    %swap3A_25 = vector.shape_cast %swap3A_24 : vector<16xf32> to vector<16xf32>
    %swap3A_26 = vector.shape_cast %broadcast_in_dim3A_22 : vector<16xf32> to vector<16xf32>
    tpu.vector_store %arg7[%swap3A_23], %swap3A_26 {strides = array<i32>} : memref<128xf32, #tpu.memory_space<vmem>>, vector<16xf32>,
    %broadcast_in_dim3A_27 = arith.constant 1.000000e+00 : f32
    %broadcast_in_dim3A_28 = vector.broadcast %broadcast_in_dim3A_27 : f32 to vector<16xf32>
    %swap3A_29 = arith.constant 64 : index
    %swap3A_30 = tpu.vector_load %arg7[%swap3A_29] {strides = array<i32>} : memref<128xf32, #tpu.memory_space<vmem>>, vector<16xf32>,
    %swap3A_31 = vector.shape_cast %swap3A_30 : vector<16xf32> to vector<16xf32>
    %swap3A_32 = vector.shape_cast %broadcast_in_dim3A_28 : vector<16xf32> to vector<16xf32>
    tpu.vector_store %arg7[%swap3A_29], %swap3A_32 {strides = array<i32>} : memref<128xf32, #tpu.memory_space<vmem>>, vector<16xf32>,
    %broadcast_in_dim3A_33 = arith.constant 1.000000e+00 : f32
    %broadcast_in_dim3A_34 = vector.broadcast %broadcast_in_dim3A_33 : f32 to vector<16xf32>
    %swap3A_35 = arith.constant 80 : index
    %swap3A_36 = tpu.vector_load %arg7[%swap3A_35] {strides = array<i32>} : memref<128xf32, #tpu.memory_space<vmem>>, vector<16xf32>,
    %swap3A_37 = vector.shape_cast %swap3A_36 : vector<16xf32> to vector<16xf32>
    %swap3A_38 = vector.shape_cast %broadcast_in_dim3A_34 : vector<16xf32> to vector<16xf32>
    tpu.vector_store %arg7[%swap3A_35], %swap3A_38 {strides = array<i32>} : memref<128xf32, #tpu.memory_space<vmem>>, vector<16xf32>,
    %broadcast_in_dim3A_39 = arith.constant 1.000000e+00 : f32
    %broadcast_in_dim3A_40 = vector.broadcast %broadcast_in_dim3A_39 : f32 to vector<16xf32>
    %swap3A_41 = arith.constant 96 : index
    %swap3A_42 = tpu.vector_load %arg7[%swap3A_41] {strides = array<i32>} : memref<128xf32, #tpu.memory_space<vmem>>, vector<16xf32>,
    %swap3A_43 = vector.shape_cast %swap3A_42 : vector<16xf32> to vector<16xf32>
    %swap3A_44 = vector.shape_cast %broadcast_in_dim3A_40 : vector<16xf32> to vector<16xf32>
    tpu.vector_store %arg7[%swap3A_41], %swap3A_44 {strides = array<i32>} : memref<128xf32, #tpu.memory_space<vmem>>, vector<16xf32>,
    %broadcast_in_dim3A_45 = arith.constant 1.000000e+00 : f32
    %broadcast_in_dim3A_46 = vector.broadcast %broadcast_in_dim3A_45 : f32 to vector<16xf32>
    %swap3A_47 = arith.constant 112 : index
    %swap3A_48 = tpu.vector_load %arg7[%swap3A_47] {strides = array<i32>} : memref<128xf32, #tpu.memory_space<vmem>>, vector<16xf32>,
    %swap3A_49 = vector.shape_cast %swap3A_48 : vector<16xf32> to vector<16xf32>
    %swap3A_50 = vector.shape_cast %broadcast_in_dim3A_46 : vector<16xf32> to vector<16xf32>
    tpu.vector_store %arg7[%swap3A_47], %swap3A_50 {strides = array<i32>} : memref<128xf32, #tpu.memory_space<vmem>>, vector<16xf32>,
    %barrier3A = arith.constant 0 : index
    tpu.barrier barrier_id(%barrier3A)
    %scan3A = arith.constant 0 : i32
    %scan3A_51 = arith.constant 0 : i32
    %scan3A_52 = arith.constant 79 : i32
    %scan3A_53 = arith.addi %scan3A_51, %scan3A_52 : i32
    %scan3A_54 = arith.constant 1 : i32
    scf.for %scan3A_70 = %scan3A_51 to %scan3A_53 step %scan3A_54  : i32 {
      %dma_start3A = arith.constant 0 : i32
      %dma_start3A_71 = tpu.memref_slice %arg6[%scan3A_70, %dma_start3A] : memref<79x128xi32, #tpu.memory_space<vmem>> -> memref<1x128xi32, #tpu.memory_space<vmem>>
      %dma_start3A_72 = tpu.memref_squeeze %dma_start3A_71 : memref<1x128xi32, #tpu.memory_space<vmem>> -> memref<128xi32, #tpu.memory_space<vmem>>
      %dma_start3A_73 = arith.constant 0 : i32
      %dma_start3A_74 = tpu.memref_slice %arg9[%dma_start3A_73] : memref<10240xf32, #tpu.memory_space<vmem_shared>> -> memref<10240xf32, #tpu.memory_space<vmem_shared>>
      tpu.enqueue_indirect_dma source(%arg7 : memref<128xf32, #tpu.memory_space<vmem>>) target(%dma_start3A_74 : memref<10240xf32, #tpu.memory_space<vmem_shared>>) offsets(%dma_start3A_72 : memref<128xi32, #tpu.memory_space<vmem>>) semaphore(%arg8 : memref<!tpu.dma_semaphore, #tpu.memory_space<semaphore_mem>>) {add = true}
    }
    %scan3A_55 = arith.constant 79 : i32
    %scan3A_56 = arith.constant 0 : i32
    %scan3A_57 = arith.constant 0 : i32
    %scan3A_58 = arith.constant 79 : i32
    %scan3A_59 = arith.addi %scan3A_57, %scan3A_58 : i32
    %scan3A_60 = arith.constant 1 : i32
    scf.for %scan3A_70 = %scan3A_57 to %scan3A_59 step %scan3A_60  : i32 {
      %dma_wait3A = arith.constant 0 : i32
      %dma_wait3A_71 = arith.constant 0 : i32
      %dma_wait3A_72 = tpu.memref_slice %arg6[%dma_wait3A, %dma_wait3A_71] : memref<79x128xi32, #tpu.memory_space<vmem>> -> memref<1x128xi32, #tpu.memory_space<vmem>>
      %dma_wait3A_73 = tpu.memref_squeeze %dma_wait3A_72 : memref<1x128xi32, #tpu.memory_space<vmem>> -> memref<128xi32, #tpu.memory_space<vmem>>
      %dma_wait3A_74 = arith.constant 0 : i32
      %dma_wait3A_75 = tpu.memref_slice %arg9[%dma_wait3A_74] : memref<10240xf32, #tpu.memory_space<vmem_shared>> -> memref<10240xf32, #tpu.memory_space<vmem_shared>>
      tpu.wait_indirect_dma semaphore(%arg8 : memref<!tpu.dma_semaphore, #tpu.memory_space<semaphore_mem>>) src(%arg7 : memref<128xf32, #tpu.memory_space<vmem>>) dst(%dma_wait3A_75 : memref<10240xf32, #tpu.memory_space<vmem_shared>>)
    }
    %scan3A_61 = arith.constant 79 : i32
    %barrier3A_62 = arith.constant 0 : index
    tpu.barrier barrier_id(%barrier3A_62)
    %eq3A = arith.constant 0 : i32
    %eq3A_63 = arith.cmpi eq, %arg0, %eq3A : i32
    %convert_element_type3A = arith.extui %eq3A_63 : i1 to i32
    %cond3A = arith.constant 0 : i32
    %cond3A_64 = arith.cmpi ne, %convert_element_type3A, %cond3A : i32
    scf.if %cond3A_64 {
      %mul3A_70 = arith.constant 640 : i32
      %mul3A_71 = arith.muli %arg1, %mul3A_70 : i32
      %mul3A_72 = arith.constant 640 : i32
      %mul3A_73 = arith.muli %arg1, %mul3A_72 : i32
      "tpu.region"() ({
        %run_scoped3A = tpu.sem_alloc : memref<!tpu.dma_semaphore, #tpu.memory_space<semaphore_mem>>
        %dma_start3A = tpu.memref_slice %arg4[%mul3A_73] : memref<10240xf32, #tpu.memory_space<hbm>> -> memref<640xf32, #tpu.memory_space<hbm>>
        %dma_start3A_74 = tpu.memref_slice %arg9[%mul3A_71] : memref<10240xf32, #tpu.memory_space<vmem_shared>> -> memref<640xf32, #tpu.memory_space<vmem_shared>>
        tpu.enqueue_dma source(%dma_start3A_74 : memref<640xf32, #tpu.memory_space<vmem_shared>>) target(%dma_start3A : memref<640xf32, #tpu.memory_space<hbm>>) target_semaphore(%run_scoped3A : memref<!tpu.dma_semaphore, #tpu.memory_space<semaphore_mem>>)
        %dma_wait3A = tpu.memref_slice %arg4[%mul3A_73] : memref<10240xf32, #tpu.memory_space<hbm>> -> memref<640xf32, #tpu.memory_space<hbm>>
        %dma_wait3A_75 = tpu.memref_slice %arg9[%mul3A_71] : memref<10240xf32, #tpu.memory_space<vmem_shared>> -> memref<640xf32, #tpu.memory_space<vmem_shared>>
        tpu.wait_dma2 semaphore(%run_scoped3A : memref<!tpu.dma_semaphore, #tpu.memory_space<semaphore_mem>>) src(%dma_wait3A_75 : memref<640xf32, #tpu.memory_space<vmem_shared>>) dst(%dma_wait3A : memref<640xf32, #tpu.memory_space<hbm>>)
        tpu.yield
      }) : () -> ()
    } else {
    }
    %eq3A_65 = arith.constant 1 : i32
    %eq3A_66 = arith.cmpi eq, %arg0, %eq3A_65 : i32
    %convert_element_type3A_67 = arith.extui %eq3A_66 : i1 to i32
    %cond3A_68 = arith.constant 0 : i32
    %cond3A_69 = arith.cmpi ne, %convert_element_type3A_67, %cond3A_68 : i32
    scf.if %cond3A_69 {
      %mul3A_70 = arith.constant 640 : i32
      %mul3A_71 = arith.muli %arg1, %mul3A_70 : i32
      %mul3A_72 = arith.constant 640 : i32
      %mul3A_73 = arith.muli %arg1, %mul3A_72 : i32
      "tpu.region"() ({
        %run_scoped3A = tpu.sem_alloc : memref<!tpu.dma_semaphore, #tpu.memory_space<semaphore_mem>>
        %dma_start3A = tpu.memref_slice %arg5[%mul3A_73] : memref<10240xf32, #tpu.memory_space<hbm>> -> memref<640xf32, #tpu.memory_space<hbm>>
        %dma_start3A_74 = tpu.memref_slice %arg9[%mul3A_71] : memref<10240xf32, #tpu.memory_space<vmem_shared>> -> memref<640xf32, #tpu.memory_space<vmem_shared>>
        tpu.enqueue_dma source(%dma_start3A_74 : memref<640xf32, #tpu.memory_space<vmem_shared>>) target(%dma_start3A : memref<640xf32, #tpu.memory_space<hbm>>) target_semaphore(%run_scoped3A : memref<!tpu.dma_semaphore, #tpu.memory_space<semaphore_mem>>)
        %dma_wait3A = tpu.memref_slice %arg5[%mul3A_73] : memref<10240xf32, #tpu.memory_space<hbm>> -> memref<640xf32, #tpu.memory_space<hbm>>
        %dma_wait3A_75 = tpu.memref_slice %arg9[%mul3A_71] : memref<10240xf32, #tpu.memory_space<vmem_shared>> -> memref<640xf32, #tpu.memory_space<vmem_shared>>
        tpu.wait_dma2 semaphore(%run_scoped3A : memref<!tpu.dma_semaphore, #tpu.memory_space<semaphore_mem>>) src(%dma_wait3A_75 : memref<640xf32, #tpu.memory_space<vmem_shared>>) dst(%dma_wait3A : memref<640xf32, #tpu.memory_space<hbm>>)
        tpu.yield
      }) : () -> ()
    } else {
    }
    return
  }
}

#map = affine_map<(d0, d1) -> (0, 0)>
#map1 = affine_map<(d0, d1) -> (0, 0, 0)>
module attributes {stable_mosaic.version = 14 : i64} {
  func.func @_agg_body(%arg0: i32, %arg1: i32, %arg2: memref<10000x128xf32, #tpu.memory_space<hbm>>, %arg3: memref<32x79x128xi32, #tpu.memory_space<hbm>>, %arg4: memref<32x79x128xi32, #tpu.memory_space<hbm>>, %arg5: memref<1000x128xf32, #tpu.memory_space<hbm>>, %arg6: memref<10000x128xf32, #tpu.memory_space<hbm>>, %arg7: memref<10000x128xf32, #tpu.memory_space<hbm>>, %arg8: memref<128xi32, #tpu.memory_space<vmem>>, %arg9: memref<128xi32, #tpu.memory_space<vmem>>, %arg10: memref<128xi32, #tpu.memory_space<vmem>>, %arg11: memref<128xi32, #tpu.memory_space<vmem>>, %arg12: memref<128xi32, #tpu.memory_space<vmem>>, %arg13: memref<128xi32, #tpu.memory_space<vmem>>, %arg14: memref<128x128xf32, #tpu.memory_space<vmem>>, %arg15: memref<128x128xf32, #tpu.memory_space<vmem>>, %arg16: memref<128x128xf32, #tpu.memory_space<vmem>>, %arg17: memref<!tpu.dma_semaphore, #tpu.memory_space<semaphore_mem>>, %arg18: memref<!tpu.dma_semaphore, #tpu.memory_space<semaphore_mem>>, %arg19: memref<!tpu.dma_semaphore, #tpu.memory_space<semaphore_mem>>, %arg20: memref<!tpu.dma_semaphore, #tpu.memory_space<semaphore_mem>>, %arg21: memref<!tpu.dma_semaphore, #tpu.memory_space<semaphore_mem>>, %arg22: memref<!tpu.dma_semaphore, #tpu.memory_space<semaphore_mem>>, %arg23: memref<!tpu.dma_semaphore, #tpu.memory_space<semaphore_mem>>, %arg24: memref<!tpu.dma_semaphore, #tpu.memory_space<semaphore_mem>>, %arg25: memref<!tpu.dma_semaphore, #tpu.memory_space<semaphore_mem>>, %arg26: memref<!tpu.dma_semaphore, #tpu.memory_space<semaphore_mem>>, %arg27: memref<!tpu.dma_semaphore, #tpu.memory_space<semaphore_mem>>, %arg28: memref<!tpu.dma_semaphore, #tpu.memory_space<semaphore_mem>>, %arg29: memref<10048x128xf32, #tpu.memory_space<vmem_shared>>) attributes {dimension_semantics = [#tpu.dimension_semantics<core_parallel>, #tpu.dimension_semantics<subcore_parallel>], iteration_bounds = array<i64: 2, 16>, scalar_prefetch = 0 : i64, scratch_operands = 22 : i64, tpu.core_type = #tpu.core_type<sc_vector_subcore>, window_params = [{transform_indices = #map}, {transform_indices = #map1}, {transform_indices = #map1}, {transform_indices = #map}, {transform_indices = #map}, {transform_indices = #map}]} {
    %mul3A = arith.constant 16 : i32
    %mul3A_0 = arith.muli %arg0, %mul3A : i32
    %add3A = arith.addi %mul3A_0, %arg1 : i32
    %lt3A = arith.constant 10 : i32
    %lt3A_1 = arith.cmpi slt, %arg1, %lt3A : i32
    %convert_element_type3A = arith.extui %lt3A_1 : i1 to i32
    %cond3A = arith.constant 0 : i32
    %cond3A_2 = arith.cmpi ne, %convert_element_type3A, %cond3A : i32
    scf.if %cond3A_2 {
      %mul3A_63 = arith.constant 1000 : i32
      %mul3A_64 = arith.muli %arg1, %mul3A_63 : i32
      "tpu.region"() ({
        %run_scoped3A_65 = tpu.sem_alloc : memref<!tpu.dma_semaphore, #tpu.memory_space<semaphore_mem>>
        %dma_start3A_66 = arith.constant 0 : i32
        %dma_start3A_67 = tpu.memref_slice %arg29[%mul3A_64, %dma_start3A_66] : memref<10048x128xf32, #tpu.memory_space<vmem_shared>> -> memref<1000x128xf32, #tpu.memory_space<vmem_shared>>
        tpu.enqueue_dma source(%arg5 : memref<1000x128xf32, #tpu.memory_space<hbm>>) target(%dma_start3A_67 : memref<1000x128xf32, #tpu.memory_space<vmem_shared>>) target_semaphore(%run_scoped3A_65 : memref<!tpu.dma_semaphore, #tpu.memory_space<semaphore_mem>>)
        %dma_wait3A_68 = arith.constant 0 : i32
        %dma_wait3A_69 = tpu.memref_slice %arg29[%mul3A_64, %dma_wait3A_68] : memref<10048x128xf32, #tpu.memory_space<vmem_shared>> -> memref<1000x128xf32, #tpu.memory_space<vmem_shared>>
        tpu.wait_dma2 semaphore(%run_scoped3A_65 : memref<!tpu.dma_semaphore, #tpu.memory_space<semaphore_mem>>) src(%arg5 : memref<1000x128xf32, #tpu.memory_space<hbm>>) dst(%dma_wait3A_69 : memref<1000x128xf32, #tpu.memory_space<vmem_shared>>)
        tpu.yield
      }) : () -> ()
    } else {
    }
    %run_scoped3A = arith.constant 0 : i32
    "tpu.region"() ({
      %run_scoped3A_63 = tpu.sem_alloc : memref<!tpu.dma_semaphore, #tpu.memory_space<semaphore_mem>>
      %dma_start3A_64 = arith.constant 0 : i32
      %dma_start3A_65 = tpu.memref_slice %arg3[%add3A, %run_scoped3A, %dma_start3A_64] : memref<32x79x128xi32, #tpu.memory_space<hbm>> -> memref<1x1x128xi32, #tpu.memory_space<hbm>>
      %dma_start3A_66 = tpu.memref_squeeze %dma_start3A_65 : memref<1x1x128xi32, #tpu.memory_space<hbm>> -> memref<128xi32, #tpu.memory_space<hbm>>
      %dma_start3A_67 = arith.constant 0 : i32
      %dma_start3A_68 = tpu.memref_slice %arg3[%add3A, %run_scoped3A, %dma_start3A_67] : memref<32x79x128xi32, #tpu.memory_space<hbm>> -> memref<1x1x128xi32, #tpu.memory_space<hbm>>
      %dma_start3A_69 = tpu.memref_squeeze %dma_start3A_68 : memref<1x1x128xi32, #tpu.memory_space<hbm>> -> memref<128xi32, #tpu.memory_space<hbm>>
      tpu.enqueue_dma source(%dma_start3A_69 : memref<128xi32, #tpu.memory_space<hbm>>) target(%arg8 : memref<128xi32, #tpu.memory_space<vmem>>) target_semaphore(%run_scoped3A_63 : memref<!tpu.dma_semaphore, #tpu.memory_space<semaphore_mem>>)
      %dma_wait3A_70 = arith.constant 0 : i32
      %dma_wait3A_71 = tpu.memref_slice %arg3[%add3A, %run_scoped3A, %dma_wait3A_70] : memref<32x79x128xi32, #tpu.memory_space<hbm>> -> memref<1x1x128xi32, #tpu.memory_space<hbm>>
      %dma_wait3A_72 = tpu.memref_squeeze %dma_wait3A_71 : memref<1x1x128xi32, #tpu.memory_space<hbm>> -> memref<128xi32, #tpu.memory_space<hbm>>
      %dma_wait3A_73 = arith.constant 0 : i32
      %dma_wait3A_74 = tpu.memref_slice %arg3[%add3A, %run_scoped3A, %dma_wait3A_73] : memref<32x79x128xi32, #tpu.memory_space<hbm>> -> memref<1x1x128xi32, #tpu.memory_space<hbm>>
      %dma_wait3A_75 = tpu.memref_squeeze %dma_wait3A_74 : memref<1x1x128xi32, #tpu.memory_space<hbm>> -> memref<128xi32, #tpu.memory_space<hbm>>
      tpu.wait_dma2 semaphore(%run_scoped3A_63 : memref<!tpu.dma_semaphore, #tpu.memory_space<semaphore_mem>>) src(%dma_wait3A_75 : memref<128xi32, #tpu.memory_space<hbm>>) dst(%arg8 : memref<128xi32, #tpu.memory_space<vmem>>)
      tpu.yield
    }) : () -> ()
    %run_scoped3A_3 = arith.constant 1 : i32
    "tpu.region"() ({
      %run_scoped3A_63 = tpu.sem_alloc : memref<!tpu.dma_semaphore, #tpu.memory_space<semaphore_mem>>
      %dma_start3A_64 = arith.constant 0 : i32
      %dma_start3A_65 = tpu.memref_slice %arg3[%add3A, %run_scoped3A_3, %dma_start3A_64] : memref<32x79x128xi32, #tpu.memory_space<hbm>> -> memref<1x1x128xi32, #tpu.memory_space<hbm>>
      %dma_start3A_66 = tpu.memref_squeeze %dma_start3A_65 : memref<1x1x128xi32, #tpu.memory_space<hbm>> -> memref<128xi32, #tpu.memory_space<hbm>>
      %dma_start3A_67 = arith.constant 0 : i32
      %dma_start3A_68 = tpu.memref_slice %arg3[%add3A, %run_scoped3A_3, %dma_start3A_67] : memref<32x79x128xi32, #tpu.memory_space<hbm>> -> memref<1x1x128xi32, #tpu.memory_space<hbm>>
      %dma_start3A_69 = tpu.memref_squeeze %dma_start3A_68 : memref<1x1x128xi32, #tpu.memory_space<hbm>> -> memref<128xi32, #tpu.memory_space<hbm>>
      tpu.enqueue_dma source(%dma_start3A_69 : memref<128xi32, #tpu.memory_space<hbm>>) target(%arg9 : memref<128xi32, #tpu.memory_space<vmem>>) target_semaphore(%run_scoped3A_63 : memref<!tpu.dma_semaphore, #tpu.memory_space<semaphore_mem>>)
      %dma_wait3A_70 = arith.constant 0 : i32
      %dma_wait3A_71 = tpu.memref_slice %arg3[%add3A, %run_scoped3A_3, %dma_wait3A_70] : memref<32x79x128xi32, #tpu.memory_space<hbm>> -> memref<1x1x128xi32, #tpu.memory_space<hbm>>
      %dma_wait3A_72 = tpu.memref_squeeze %dma_wait3A_71 : memref<1x1x128xi32, #tpu.memory_space<hbm>> -> memref<128xi32, #tpu.memory_space<hbm>>
      %dma_wait3A_73 = arith.constant 0 : i32
      %dma_wait3A_74 = tpu.memref_slice %arg3[%add3A, %run_scoped3A_3, %dma_wait3A_73] : memref<32x79x128xi32, #tpu.memory_space<hbm>> -> memref<1x1x128xi32, #tpu.memory_space<hbm>>
      %dma_wait3A_75 = tpu.memref_squeeze %dma_wait3A_74 : memref<1x1x128xi32, #tpu.memory_space<hbm>> -> memref<128xi32, #tpu.memory_space<hbm>>
      tpu.wait_dma2 semaphore(%run_scoped3A_63 : memref<!tpu.dma_semaphore, #tpu.memory_space<semaphore_mem>>) src(%dma_wait3A_75 : memref<128xi32, #tpu.memory_space<hbm>>) dst(%arg9 : memref<128xi32, #tpu.memory_space<vmem>>)
      tpu.yield
    }) : () -> ()
    %run_scoped3A_4 = arith.constant 2 : i32
    "tpu.region"() ({
      %run_scoped3A_63 = tpu.sem_alloc : memref<!tpu.dma_semaphore, #tpu.memory_space<semaphore_mem>>
      %dma_start3A_64 = arith.constant 0 : i32
      %dma_start3A_65 = tpu.memref_slice %arg3[%add3A, %run_scoped3A_4, %dma_start3A_64] : memref<32x79x128xi32, #tpu.memory_space<hbm>> -> memref<1x1x128xi32, #tpu.memory_space<hbm>>
      %dma_start3A_66 = tpu.memref_squeeze %dma_start3A_65 : memref<1x1x128xi32, #tpu.memory_space<hbm>> -> memref<128xi32, #tpu.memory_space<hbm>>
      %dma_start3A_67 = arith.constant 0 : i32
      %dma_start3A_68 = tpu.memref_slice %arg3[%add3A, %run_scoped3A_4, %dma_start3A_67] : memref<32x79x128xi32, #tpu.memory_space<hbm>> -> memref<1x1x128xi32, #tpu.memory_space<hbm>>
      %dma_start3A_69 = tpu.memref_squeeze %dma_start3A_68 : memref<1x1x128xi32, #tpu.memory_space<hbm>> -> memref<128xi32, #tpu.memory_space<hbm>>
      tpu.enqueue_dma source(%dma_start3A_69 : memref<128xi32, #tpu.memory_space<hbm>>) target(%arg10 : memref<128xi32, #tpu.memory_space<vmem>>) target_semaphore(%run_scoped3A_63 : memref<!tpu.dma_semaphore, #tpu.memory_space<semaphore_mem>>)
      %dma_wait3A_70 = arith.constant 0 : i32
      %dma_wait3A_71 = tpu.memref_slice %arg3[%add3A, %run_scoped3A_4, %dma_wait3A_70] : memref<32x79x128xi32, #tpu.memory_space<hbm>> -> memref<1x1x128xi32, #tpu.memory_space<hbm>>
      %dma_wait3A_72 = tpu.memref_squeeze %dma_wait3A_71 : memref<1x1x128xi32, #tpu.memory_space<hbm>> -> memref<128xi32, #tpu.memory_space<hbm>>
      %dma_wait3A_73 = arith.constant 0 : i32
      %dma_wait3A_74 = tpu.memref_slice %arg3[%add3A, %run_scoped3A_4, %dma_wait3A_73] : memref<32x79x128xi32, #tpu.memory_space<hbm>> -> memref<1x1x128xi32, #tpu.memory_space<hbm>>
      %dma_wait3A_75 = tpu.memref_squeeze %dma_wait3A_74 : memref<1x1x128xi32, #tpu.memory_space<hbm>> -> memref<128xi32, #tpu.memory_space<hbm>>
      tpu.wait_dma2 semaphore(%run_scoped3A_63 : memref<!tpu.dma_semaphore, #tpu.memory_space<semaphore_mem>>) src(%dma_wait3A_75 : memref<128xi32, #tpu.memory_space<hbm>>) dst(%arg10 : memref<128xi32, #tpu.memory_space<vmem>>)
      tpu.yield
    }) : () -> ()
    %run_scoped3A_5 = arith.constant 0 : i32
    "tpu.region"() ({
      %run_scoped3A_63 = tpu.sem_alloc : memref<!tpu.dma_semaphore, #tpu.memory_space<semaphore_mem>>
      %dma_start3A_64 = arith.constant 0 : i32
      %dma_start3A_65 = tpu.memref_slice %arg4[%add3A, %run_scoped3A_5, %dma_start3A_64] : memref<32x79x128xi32, #tpu.memory_space<hbm>> -> memref<1x1x128xi32, #tpu.memory_space<hbm>>
      %dma_start3A_66 = tpu.memref_squeeze %dma_start3A_65 : memref<1x1x128xi32, #tpu.memory_space<hbm>> -> memref<128xi32, #tpu.memory_space<hbm>>
      %dma_start3A_67 = arith.constant 0 : i32
      %dma_start3A_68 = tpu.memref_slice %arg4[%add3A, %run_scoped3A_5, %dma_start3A_67] : memref<32x79x128xi32, #tpu.memory_space<hbm>> -> memref<1x1x128xi32, #tpu.memory_space<hbm>>
      %dma_start3A_69 = tpu.memref_squeeze %dma_start3A_68 : memref<1x1x128xi32, #tpu.memory_space<hbm>> -> memref<128xi32, #tpu.memory_space<hbm>>
      tpu.enqueue_dma source(%dma_start3A_69 : memref<128xi32, #tpu.memory_space<hbm>>) target(%arg11 : memref<128xi32, #tpu.memory_space<vmem>>) target_semaphore(%run_scoped3A_63 : memref<!tpu.dma_semaphore, #tpu.memory_space<semaphore_mem>>)
      %dma_wait3A_70 = arith.constant 0 : i32
      %dma_wait3A_71 = tpu.memref_slice %arg4[%add3A, %run_scoped3A_5, %dma_wait3A_70] : memref<32x79x128xi32, #tpu.memory_space<hbm>> -> memref<1x1x128xi32, #tpu.memory_space<hbm>>
      %dma_wait3A_72 = tpu.memref_squeeze %dma_wait3A_71 : memref<1x1x128xi32, #tpu.memory_space<hbm>> -> memref<128xi32, #tpu.memory_space<hbm>>
      %dma_wait3A_73 = arith.constant 0 : i32
      %dma_wait3A_74 = tpu.memref_slice %arg4[%add3A, %run_scoped3A_5, %dma_wait3A_73] : memref<32x79x128xi32, #tpu.memory_space<hbm>> -> memref<1x1x128xi32, #tpu.memory_space<hbm>>
      %dma_wait3A_75 = tpu.memref_squeeze %dma_wait3A_74 : memref<1x1x128xi32, #tpu.memory_space<hbm>> -> memref<128xi32, #tpu.memory_space<hbm>>
      tpu.wait_dma2 semaphore(%run_scoped3A_63 : memref<!tpu.dma_semaphore, #tpu.memory_space<semaphore_mem>>) src(%dma_wait3A_75 : memref<128xi32, #tpu.memory_space<hbm>>) dst(%arg11 : memref<128xi32, #tpu.memory_space<vmem>>)
      tpu.yield
    }) : () -> ()
    %dma_start3A = arith.constant 1 : i32
    %dma_start3A_6 = arith.constant 0 : i32
    %dma_start3A_7 = tpu.memref_slice %arg4[%add3A, %dma_start3A, %dma_start3A_6] : memref<32x79x128xi32, #tpu.memory_space<hbm>> -> memref<1x1x128xi32, #tpu.memory_space<hbm>>
    %dma_start3A_8 = tpu.memref_squeeze %dma_start3A_7 : memref<1x1x128xi32, #tpu.memory_space<hbm>> -> memref<128xi32, #tpu.memory_space<hbm>>
    %dma_start3A_9 = arith.constant 0 : i32
    %dma_start3A_10 = tpu.memref_slice %arg4[%add3A, %dma_start3A, %dma_start3A_9] : memref<32x79x128xi32, #tpu.memory_space<hbm>> -> memref<1x1x128xi32, #tpu.memory_space<hbm>>
    %dma_start3A_11 = tpu.memref_squeeze %dma_start3A_10 : memref<1x1x128xi32, #tpu.memory_space<hbm>> -> memref<128xi32, #tpu.memory_space<hbm>>
    tpu.enqueue_dma source(%dma_start3A_11 : memref<128xi32, #tpu.memory_space<hbm>>) target(%arg12 : memref<128xi32, #tpu.memory_space<vmem>>) target_semaphore(%arg21 : memref<!tpu.dma_semaphore, #tpu.memory_space<semaphore_mem>>)
    %barrier3A = arith.constant 0 : index
    tpu.barrier barrier_id(%barrier3A)
    %dma_start3A_12 = arith.constant 0 : i32
    %dma_start3A_13 = arith.constant 0 : i32
    %dma_start3A_14 = tpu.memref_slice %arg2[%dma_start3A_12, %dma_start3A_13] : memref<10000x128xf32, #tpu.memory_space<hbm>> -> memref<10000x128xf32, #tpu.memory_space<hbm>>
    tpu.enqueue_indirect_dma source(%dma_start3A_14 : memref<10000x128xf32, #tpu.memory_space<hbm>>) target(%arg14 : memref<128x128xf32, #tpu.memory_space<vmem>>) offsets(%arg8 : memref<128xi32, #tpu.memory_space<vmem>>) semaphore(%arg23 : memref<!tpu.dma_semaphore, #tpu.memory_space<semaphore_mem>>)
    %dma_start3A_15 = arith.constant 0 : i32
    %dma_start3A_16 = arith.constant 0 : i32
    %dma_start3A_17 = tpu.memref_slice %arg2[%dma_start3A_15, %dma_start3A_16] : memref<10000x128xf32, #tpu.memory_space<hbm>> -> memref<10000x128xf32, #tpu.memory_space<hbm>>
    tpu.enqueue_indirect_dma source(%dma_start3A_17 : memref<10000x128xf32, #tpu.memory_space<hbm>>) target(%arg15 : memref<128x128xf32, #tpu.memory_space<vmem>>) offsets(%arg9 : memref<128xi32, #tpu.memory_space<vmem>>) semaphore(%arg24 : memref<!tpu.dma_semaphore, #tpu.memory_space<semaphore_mem>>)
    %dma_wait3A = arith.constant 0 : i32
    %dma_wait3A_18 = arith.constant 0 : i32
    %dma_wait3A_19 = tpu.memref_slice %arg2[%dma_wait3A, %dma_wait3A_18] : memref<10000x128xf32, #tpu.memory_space<hbm>> -> memref<10000x128xf32, #tpu.memory_space<hbm>>
    tpu.wait_indirect_dma semaphore(%arg23 : memref<!tpu.dma_semaphore, #tpu.memory_space<semaphore_mem>>) src(%dma_wait3A_19 : memref<10000x128xf32, #tpu.memory_space<hbm>>) dst(%arg14 : memref<128x128xf32, #tpu.memory_space<vmem>>)
    %dma_start3A_20 = arith.constant 3 : i32
    %dma_start3A_21 = arith.constant 0 : i32
    %dma_start3A_22 = tpu.memref_slice %arg3[%add3A, %dma_start3A_20, %dma_start3A_21] : memref<32x79x128xi32, #tpu.memory_space<hbm>> -> memref<1x1x128xi32, #tpu.memory_space<hbm>>
    %dma_start3A_23 = tpu.memref_squeeze %dma_start3A_22 : memref<1x1x128xi32, #tpu.memory_space<hbm>> -> memref<128xi32, #tpu.memory_space<hbm>>
    %dma_start3A_24 = arith.constant 0 : i32
    %dma_start3A_25 = tpu.memref_slice %arg3[%add3A, %dma_start3A_20, %dma_start3A_24] : memref<32x79x128xi32, #tpu.memory_space<hbm>> -> memref<1x1x128xi32, #tpu.memory_space<hbm>>
    %dma_start3A_26 = tpu.memref_squeeze %dma_start3A_25 : memref<1x1x128xi32, #tpu.memory_space<hbm>> -> memref<128xi32, #tpu.memory_space<hbm>>
    tpu.enqueue_dma source(%dma_start3A_26 : memref<128xi32, #tpu.memory_space<hbm>>) target(%arg8 : memref<128xi32, #tpu.memory_space<vmem>>) target_semaphore(%arg17 : memref<!tpu.dma_semaphore, #tpu.memory_space<semaphore_mem>>)
    %dma_start3A_27 = arith.constant 0 : i32
    %dma_start3A_28 = arith.constant 0 : i32
    %dma_start3A_29 = tpu.memref_slice %arg29[%dma_start3A_27, %dma_start3A_28] : memref<10048x128xf32, #tpu.memory_space<vmem_shared>> -> memref<10048x128xf32, #tpu.memory_space<vmem_shared>>
    tpu.enqueue_indirect_dma source(%arg14 : memref<128x128xf32, #tpu.memory_space<vmem>>) target(%dma_start3A_29 : memref<10048x128xf32, #tpu.memory_space<vmem_shared>>) offsets(%arg11 : memref<128xi32, #tpu.memory_space<vmem>>) semaphore(%arg26 : memref<!tpu.dma_semaphore, #tpu.memory_space<semaphore_mem>>) {add = true}
    %dma_start3A_30 = arith.constant 2 : i32
    %dma_start3A_31 = arith.constant 0 : i32
    %dma_start3A_32 = tpu.memref_slice %arg4[%add3A, %dma_start3A_30, %dma_start3A_31] : memref<32x79x128xi32, #tpu.memory_space<hbm>> -> memref<1x1x128xi32, #tpu.memory_space<hbm>>
    %dma_start3A_33 = tpu.memref_squeeze %dma_start3A_32 : memref<1x1x128xi32, #tpu.memory_space<hbm>> -> memref<128xi32, #tpu.memory_space<hbm>>
    %dma_start3A_34 = arith.constant 0 : i32
    %dma_start3A_35 = tpu.memref_slice %arg4[%add3A, %dma_start3A_30, %dma_start3A_34] : memref<32x79x128xi32, #tpu.memory_space<hbm>> -> memref<1x1x128xi32, #tpu.memory_space<hbm>>
    %dma_start3A_36 = tpu.memref_squeeze %dma_start3A_35 : memref<1x1x128xi32, #tpu.memory_space<hbm>> -> memref<128xi32, #tpu.memory_space<hbm>>
    tpu.enqueue_dma source(%dma_start3A_36 : memref<128xi32, #tpu.memory_space<hbm>>) target(%arg13 : memref<128xi32, #tpu.memory_space<vmem>>) target_semaphore(%arg22 : memref<!tpu.dma_semaphore, #tpu.memory_space<semaphore_mem>>)
    %dma_start3A_37 = arith.constant 0 : i32
    %dma_start3A_38 = arith.constant 0 : i32
    %dma_start3A_39 = tpu.memref_slice %arg2[%dma_start3A_37, %dma_start3A_38] : memref<10000x128xf32, #tpu.memory_space<hbm>> -> memref<10000x128xf32, #tpu.memory_space<hbm>>
    tpu.enqueue_indirect_dma source(%dma_start3A_39 : memref<10000x128xf32, #tpu.memory_space<hbm>>) target(%arg16 : memref<128x128xf32, #tpu.memory_space<vmem>>) offsets(%arg10 : memref<128xi32, #tpu.memory_space<vmem>>) semaphore(%arg25 : memref<!tpu.dma_semaphore, #tpu.memory_space<semaphore_mem>>)
    %scan3A = arith.constant 0 : i32
    %scan3A_40 = arith.constant 0 : i32
    %scan3A_41 = arith.constant 26 : i32
    %scan3A_42 = arith.addi %scan3A_40, %scan3A_41 : i32
    %scan3A_43 = arith.constant 1 : i32
    scf.for %scan3A_63 = %scan3A_40 to %scan3A_42 step %scan3A_43  : i32 {
      %mul3A_64 = arith.constant 3 : i32
      %mul3A_65 = arith.muli %mul3A_64, %scan3A_63 : i32
      %add3A_66 = arith.constant 1 : i32
      %add3A_67 = arith.addi %mul3A_65, %add3A_66 : i32
      %add3A_68 = arith.constant 0 : i32
      %add3A_69 = arith.addi %add3A_67, %add3A_68 : i32
      %dma_wait3A_70 = arith.constant 0 : i32
      %dma_wait3A_71 = arith.constant 0 : i32
      %dma_wait3A_72 = tpu.memref_slice %arg2[%dma_wait3A_70, %dma_wait3A_71] : memref<10000x128xf32, #tpu.memory_space<hbm>> -> memref<10000x128xf32, #tpu.memory_space<hbm>>
      tpu.wait_indirect_dma semaphore(%arg24 : memref<!tpu.dma_semaphore, #tpu.memory_space<semaphore_mem>>) src(%dma_wait3A_72 : memref<10000x128xf32, #tpu.memory_space<hbm>>) dst(%arg15 : memref<128x128xf32, #tpu.memory_space<vmem>>)
      %lt3A_73 = arith.constant 25 : i32
      %lt3A_74 = arith.cmpi slt, %scan3A_63, %lt3A_73 : i32
      %convert_element_type3A_75 = arith.extui %lt3A_74 : i1 to i32
      %cond3A_76 = arith.constant 0 : i32
      %cond3A_77 = arith.cmpi ne, %convert_element_type3A_75, %cond3A_76 : i32
      scf.if %cond3A_77 {
        %add3A_173 = arith.constant 3 : i32
        %add3A_174 = arith.addi %add3A_69, %add3A_173 : i32
        %dma_start3A_175 = arith.constant 0 : i32
        %dma_start3A_176 = tpu.memref_slice %arg3[%add3A, %add3A_174, %dma_start3A_175] : memref<32x79x128xi32, #tpu.memory_space<hbm>> -> memref<1x1x128xi32, #tpu.memory_space<hbm>>
        %dma_start3A_177 = tpu.memref_squeeze %dma_start3A_176 : memref<1x1x128xi32, #tpu.memory_space<hbm>> -> memref<128xi32, #tpu.memory_space<hbm>>
        %dma_start3A_178 = arith.constant 0 : i32
        %dma_start3A_179 = tpu.memref_slice %arg3[%add3A, %add3A_174, %dma_start3A_178] : memref<32x79x128xi32, #tpu.memory_space<hbm>> -> memref<1x1x128xi32, #tpu.memory_space<hbm>>
        %dma_start3A_180 = tpu.memref_squeeze %dma_start3A_179 : memref<1x1x128xi32, #tpu.memory_space<hbm>> -> memref<128xi32, #tpu.memory_space<hbm>>
        tpu.enqueue_dma source(%dma_start3A_180 : memref<128xi32, #tpu.memory_space<hbm>>) target(%arg9 : memref<128xi32, #tpu.memory_space<vmem>>) target_semaphore(%arg18 : memref<!tpu.dma_semaphore, #tpu.memory_space<semaphore_mem>>)
      } else {
      }
      %dma_wait3A_78 = arith.constant 0 : i32
      %dma_wait3A_79 = arith.constant 0 : i32
      %dma_wait3A_80 = tpu.memref_slice %arg4[%add3A, %dma_wait3A_78, %dma_wait3A_79] : memref<32x79x128xi32, #tpu.memory_space<hbm>> -> memref<1x1x128xi32, #tpu.memory_space<hbm>>
      %dma_wait3A_81 = tpu.memref_squeeze %dma_wait3A_80 : memref<1x1x128xi32, #tpu.memory_space<hbm>> -> memref<128xi32, #tpu.memory_space<hbm>>
      %dma_wait3A_82 = arith.constant 0 : i32
      %dma_wait3A_83 = tpu.memref_slice %arg4[%add3A, %dma_wait3A_78, %dma_wait3A_82] : memref<32x79x128xi32, #tpu.memory_space<hbm>> -> memref<1x1x128xi32, #tpu.memory_space<hbm>>
      %dma_wait3A_84 = tpu.memref_squeeze %dma_wait3A_83 : memref<1x1x128xi32, #tpu.memory_space<hbm>> -> memref<128xi32, #tpu.memory_space<hbm>>
      tpu.wait_dma2 semaphore(%arg21 : memref<!tpu.dma_semaphore, #tpu.memory_space<semaphore_mem>>) src(%dma_wait3A_84 : memref<128xi32, #tpu.memory_space<hbm>>) dst(%arg12 : memref<128xi32, #tpu.memory_space<vmem>>)
      %dma_start3A_85 = arith.constant 0 : i32
      %dma_start3A_86 = arith.constant 0 : i32
      %dma_start3A_87 = tpu.memref_slice %arg29[%dma_start3A_85, %dma_start3A_86] : memref<10048x128xf32, #tpu.memory_space<vmem_shared>> -> memref<10048x128xf32, #tpu.memory_space<vmem_shared>>
      tpu.enqueue_indirect_dma source(%arg15 : memref<128x128xf32, #tpu.memory_space<vmem>>) target(%dma_start3A_87 : memref<10048x128xf32, #tpu.memory_space<vmem_shared>>) offsets(%arg12 : memref<128xi32, #tpu.memory_space<vmem>>) semaphore(%arg27 : memref<!tpu.dma_semaphore, #tpu.memory_space<semaphore_mem>>) {add = true}
      %dma_wait3A_88 = arith.constant 0 : i32
      %dma_wait3A_89 = arith.constant 0 : i32
      %dma_wait3A_90 = tpu.memref_slice %arg29[%dma_wait3A_88, %dma_wait3A_89] : memref<10048x128xf32, #tpu.memory_space<vmem_shared>> -> memref<10048x128xf32, #tpu.memory_space<vmem_shared>>
      tpu.wait_indirect_dma semaphore(%arg26 : memref<!tpu.dma_semaphore, #tpu.memory_space<semaphore_mem>>) src(%arg14 : memref<128x128xf32, #tpu.memory_space<vmem>>) dst(%dma_wait3A_90 : memref<10048x128xf32, #tpu.memory_space<vmem_shared>>)
      %add3A_91 = arith.constant 2 : i32
      %add3A_92 = arith.addi %add3A_69, %add3A_91 : i32
      %dma_start3A_93 = arith.constant 0 : i32
      %dma_start3A_94 = tpu.memref_slice %arg4[%add3A, %add3A_92, %dma_start3A_93] : memref<32x79x128xi32, #tpu.memory_space<hbm>> -> memref<1x1x128xi32, #tpu.memory_space<hbm>>
      %dma_start3A_95 = tpu.memref_squeeze %dma_start3A_94 : memref<1x1x128xi32, #tpu.memory_space<hbm>> -> memref<128xi32, #tpu.memory_space<hbm>>
      %dma_start3A_96 = arith.constant 0 : i32
      %dma_start3A_97 = tpu.memref_slice %arg4[%add3A, %add3A_92, %dma_start3A_96] : memref<32x79x128xi32, #tpu.memory_space<hbm>> -> memref<1x1x128xi32, #tpu.memory_space<hbm>>
      %dma_start3A_98 = tpu.memref_squeeze %dma_start3A_97 : memref<1x1x128xi32, #tpu.memory_space<hbm>> -> memref<128xi32, #tpu.memory_space<hbm>>
      tpu.enqueue_dma source(%dma_start3A_98 : memref<128xi32, #tpu.memory_space<hbm>>) target(%arg11 : memref<128xi32, #tpu.memory_space<vmem>>) target_semaphore(%arg20 : memref<!tpu.dma_semaphore, #tpu.memory_space<semaphore_mem>>)
      %dma_wait3A_99 = arith.constant 0 : i32
      %dma_wait3A_100 = arith.constant 0 : i32
      %dma_wait3A_101 = tpu.memref_slice %arg3[%add3A, %dma_wait3A_99, %dma_wait3A_100] : memref<32x79x128xi32, #tpu.memory_space<hbm>> -> memref<1x1x128xi32, #tpu.memory_space<hbm>>
      %dma_wait3A_102 = tpu.memref_squeeze %dma_wait3A_101 : memref<1x1x128xi32, #tpu.memory_space<hbm>> -> memref<128xi32, #tpu.memory_space<hbm>>
      %dma_wait3A_103 = arith.constant 0 : i32
      %dma_wait3A_104 = tpu.memref_slice %arg3[%add3A, %dma_wait3A_99, %dma_wait3A_103] : memref<32x79x128xi32, #tpu.memory_space<hbm>> -> memref<1x1x128xi32, #tpu.memory_space<hbm>>
      %dma_wait3A_105 = tpu.memref_squeeze %dma_wait3A_104 : memref<1x1x128xi32, #tpu.memory_space<hbm>> -> memref<128xi32, #tpu.memory_space<hbm>>
      tpu.wait_dma2 semaphore(%arg17 : memref<!tpu.dma_semaphore, #tpu.memory_space<semaphore_mem>>) src(%dma_wait3A_105 : memref<128xi32, #tpu.memory_space<hbm>>) dst(%arg8 : memref<128xi32, #tpu.memory_space<vmem>>)
      %dma_start3A_106 = arith.constant 0 : i32
      %dma_start3A_107 = arith.constant 0 : i32
      %dma_start3A_108 = tpu.memref_slice %arg2[%dma_start3A_106, %dma_start3A_107] : memref<10000x128xf32, #tpu.memory_space<hbm>> -> memref<10000x128xf32, #tpu.memory_space<hbm>>
      tpu.enqueue_indirect_dma source(%dma_start3A_108 : memref<10000x128xf32, #tpu.memory_space<hbm>>) target(%arg14 : memref<128x128xf32, #tpu.memory_space<vmem>>) offsets(%arg8 : memref<128xi32, #tpu.memory_space<vmem>>) semaphore(%arg23 : memref<!tpu.dma_semaphore, #tpu.memory_space<semaphore_mem>>)
      %mul3A_109 = arith.constant 3 : i32
      %mul3A_110 = arith.muli %mul3A_109, %scan3A_63 : i32
      %add3A_111 = arith.constant 1 : i32
      %add3A_112 = arith.addi %mul3A_110, %add3A_111 : i32
      %add3A_113 = arith.constant 1 : i32
      %add3A_114 = arith.addi %add3A_112, %add3A_113 : i32
      %dma_wait3A_115 = arith.constant 0 : i32
      %dma_wait3A_116 = arith.constant 0 : i32
      %dma_wait3A_117 = tpu.memref_slice %arg2[%dma_wait3A_115, %dma_wait3A_116] : memref<10000x128xf32, #tpu.memory_space<hbm>> -> memref<10000x128xf32, #tpu.memory_space<hbm>>
      tpu.wait_indirect_dma semaphore(%arg25 : memref<!tpu.dma_semaphore, #tpu.memory_space<semaphore_mem>>) src(%dma_wait3A_117 : memref<10000x128xf32, #tpu.memory_space<hbm>>) dst(%arg16 : memref<128x128xf32, #tpu.memory_space<vmem>>)
      %lt3A_118 = arith.constant 25 : i32
      %lt3A_119 = arith.cmpi slt, %scan3A_63, %lt3A_118 : i32
      %convert_element_type3A_120 = arith.extui %lt3A_119 : i1 to i32
      %cond3A_121 = arith.constant 0 : i32
      %cond3A_122 = arith.cmpi ne, %convert_element_type3A_120, %cond3A_121 : i32
      scf.if %cond3A_122 {
        %add3A_173 = arith.constant 3 : i32
        %add3A_174 = arith.addi %add3A_114, %add3A_173 : i32
        %dma_start3A_175 = arith.constant 0 : i32
        %dma_start3A_176 = tpu.memref_slice %arg3[%add3A, %add3A_174, %dma_start3A_175] : memref<32x79x128xi32, #tpu.memory_space<hbm>> -> memref<1x1x128xi32, #tpu.memory_space<hbm>>
        %dma_start3A_177 = tpu.memref_squeeze %dma_start3A_176 : memref<1x1x128xi32, #tpu.memory_space<hbm>> -> memref<128xi32, #tpu.memory_space<hbm>>
        %dma_start3A_178 = arith.constant 0 : i32
        %dma_start3A_179 = tpu.memref_slice %arg3[%add3A, %add3A_174, %dma_start3A_178] : memref<32x79x128xi32, #tpu.memory_space<hbm>> -> memref<1x1x128xi32, #tpu.memory_space<hbm>>
        %dma_start3A_180 = tpu.memref_squeeze %dma_start3A_179 : memref<1x1x128xi32, #tpu.memory_space<hbm>> -> memref<128xi32, #tpu.memory_space<hbm>>
        tpu.enqueue_dma source(%dma_start3A_180 : memref<128xi32, #tpu.memory_space<hbm>>) target(%arg10 : memref<128xi32, #tpu.memory_space<vmem>>) target_semaphore(%arg19 : memref<!tpu.dma_semaphore, #tpu.memory_space<semaphore_mem>>)
      } else {
      }
      %dma_wait3A_123 = arith.constant 0 : i32
      %dma_wait3A_124 = arith.constant 0 : i32
      %dma_wait3A_125 = tpu.memref_slice %arg4[%add3A, %dma_wait3A_123, %dma_wait3A_124] : memref<32x79x128xi32, #tpu.memory_space<hbm>> -> memref<1x1x128xi32, #tpu.memory_space<hbm>>
      %dma_wait3A_126 = tpu.memref_squeeze %dma_wait3A_125 : memref<1x1x128xi32, #tpu.memory_space<hbm>> -> memref<128xi32, #tpu.memory_space<hbm>>
      %dma_wait3A_127 = arith.constant 0 : i32
      %dma_wait3A_128 = tpu.memref_slice %arg4[%add3A, %dma_wait3A_123, %dma_wait3A_127] : memref<32x79x128xi32, #tpu.memory_space<hbm>> -> memref<1x1x128xi32, #tpu.memory_space<hbm>>
      %dma_wait3A_129 = tpu.memref_squeeze %dma_wait3A_128 : memref<1x1x128xi32, #tpu.memory_space<hbm>> -> memref<128xi32, #tpu.memory_space<hbm>>
      tpu.wait_dma2 semaphore(%arg22 : memref<!tpu.dma_semaphore, #tpu.memory_space<semaphore_mem>>) src(%dma_wait3A_129 : memref<128xi32, #tpu.memory_space<hbm>>) dst(%arg13 : memref<128xi32, #tpu.memory_space<vmem>>)
      %dma_start3A_130 = arith.constant 0 : i32
      %dma_start3A_131 = arith.constant 0 : i32
      %dma_start3A_132 = tpu.memref_slice %arg29[%dma_start3A_130, %dma_start3A_131] : memref<10048x128xf32, #tpu.memory_space<vmem_shared>> -> memref<10048x128xf32, #tpu.memory_space<vmem_shared>>
      tpu.enqueue_indirect_dma source(%arg16 : memref<128x128xf32, #tpu.memory_space<vmem>>) target(%dma_start3A_132 : memref<10048x128xf32, #tpu.memory_space<vmem_shared>>) offsets(%arg13 : memref<128xi32, #tpu.memory_space<vmem>>) semaphore(%arg28 : memref<!tpu.dma_semaphore, #tpu.memory_space<semaphore_mem>>) {add = true}
      %dma_wait3A_133 = arith.constant 0 : i32
      %dma_wait3A_134 = arith.constant 0 : i32
      %dma_wait3A_135 = tpu.memref_slice %arg29[%dma_wait3A_133, %dma_wait3A_134] : memref<10048x128xf32, #tpu.memory_space<vmem_shared>> -> memref<10048x128xf32, #tpu.memory_space<vmem_shared>>
      tpu.wait_indirect_dma semaphore(%arg27 : memref<!tpu.dma_semaphore, #tpu.memory_space<semaphore_mem>>) src(%arg15 : memref<128x128xf32, #tpu.memory_space<vmem>>) dst(%dma_wait3A_135 : memref<10048x128xf32, #tpu.memory_space<vmem_shared>>)
      %lt3A_136 = arith.constant 25 : i32
      %lt3A_137 = arith.cmpi slt, %scan3A_63, %lt3A_136 : i32
      %convert_element_type3A_138 = arith.extui %lt3A_137 : i1 to i32
      %cond3A_139 = arith.constant 0 : i32
      %cond3A_140 = arith.cmpi ne, %convert_element_type3A_138, %cond3A_139 : i32
      scf.if %cond3A_140 {
        %add3A_173 = arith.constant 2 : i32
        %add3A_174 = arith.addi %add3A_114, %add3A_173 : i32
        %dma_start3A_175 = arith.constant 0 : i32
        %dma_start3A_176 = tpu.memref_slice %arg4[%add3A, %add3A_174, %dma_start3A_175] : memref<32x79x128xi32, #tpu.memory_space<hbm>> -> memref<1x1x128xi32, #tpu.memory_space<hbm>>
        %dma_start3A_177 = tpu.memref_squeeze %dma_start3A_176 : memref<1x1x128xi32, #tpu.memory_space<hbm>> -> memref<128xi32, #tpu.memory_space<hbm>>
        %dma_start3A_178 = arith.constant 0 : i32
        %dma_start3A_179 = tpu.memref_slice %arg4[%add3A, %add3A_174, %dma_start3A_178] : memref<32x79x128xi32, #tpu.memory_space<hbm>> -> memref<1x1x128xi32, #tpu.memory_space<hbm>>
        %dma_start3A_180 = tpu.memref_squeeze %dma_start3A_179 : memref<1x1x128xi32, #tpu.memory_space<hbm>> -> memref<128xi32, #tpu.memory_space<hbm>>
        tpu.enqueue_dma source(%dma_start3A_180 : memref<128xi32, #tpu.memory_space<hbm>>) target(%arg12 : memref<128xi32, #tpu.memory_space<vmem>>) target_semaphore(%arg21 : memref<!tpu.dma_semaphore, #tpu.memory_space<semaphore_mem>>)
        %dma_wait3A_181 = arith.constant 0 : i32
        %dma_wait3A_182 = arith.constant 0 : i32
        %dma_wait3A_183 = tpu.memref_slice %arg3[%add3A, %dma_wait3A_181, %dma_wait3A_182] : memref<32x79x128xi32, #tpu.memory_space<hbm>> -> memref<1x1x128xi32, #tpu.memory_space<hbm>>
        %dma_wait3A_184 = tpu.memref_squeeze %dma_wait3A_183 : memref<1x1x128xi32, #tpu.memory_space<hbm>> -> memref<128xi32, #tpu.memory_space<hbm>>
        %dma_wait3A_185 = arith.constant 0 : i32
        %dma_wait3A_186 = tpu.memref_slice %arg3[%add3A, %dma_wait3A_181, %dma_wait3A_185] : memref<32x79x128xi32, #tpu.memory_space<hbm>> -> memref<1x1x128xi32, #tpu.memory_space<hbm>>
        %dma_wait3A_187 = tpu.memref_squeeze %dma_wait3A_186 : memref<1x1x128xi32, #tpu.memory_space<hbm>> -> memref<128xi32, #tpu.memory_space<hbm>>
        tpu.wait_dma2 semaphore(%arg18 : memref<!tpu.dma_semaphore, #tpu.memory_space<semaphore_mem>>) src(%dma_wait3A_187 : memref<128xi32, #tpu.memory_space<hbm>>) dst(%arg9 : memref<128xi32, #tpu.memory_space<vmem>>)
        %dma_start3A_188 = arith.constant 0 : i32
        %dma_start3A_189 = arith.constant 0 : i32
        %dma_start3A_190 = tpu.memref_slice %arg2[%dma_start3A_188, %dma_start3A_189] : memref<10000x128xf32, #tpu.memory_space<hbm>> -> memref<10000x128xf32, #tpu.memory_space<hbm>>
        tpu.enqueue_indirect_dma source(%dma_start3A_190 : memref<10000x128xf32, #tpu.memory_space<hbm>>) target(%arg15 : memref<128x128xf32, #tpu.memory_space<vmem>>) offsets(%arg9 : memref<128xi32, #tpu.memory_space<vmem>>) semaphore(%arg24 : memref<!tpu.dma_semaphore, #tpu.memory_space<semaphore_mem>>)
      } else {
      }
      %mul3A_141 = arith.constant 3 : i32
      %mul3A_142 = arith.muli %mul3A_141, %scan3A_63 : i32
      %add3A_143 = arith.constant 1 : i32
      %add3A_144 = arith.addi %mul3A_142, %add3A_143 : i32
      %add3A_145 = arith.constant 2 : i32
      %add3A_146 = arith.addi %add3A_144, %add3A_145 : i32
      %dma_wait3A_147 = arith.constant 0 : i32
      %dma_wait3A_148 = arith.constant 0 : i32
      %dma_wait3A_149 = tpu.memref_slice %arg2[%dma_wait3A_147, %dma_wait3A_148] : memref<10000x128xf32, #tpu.memory_space<hbm>> -> memref<10000x128xf32, #tpu.memory_space<hbm>>
      tpu.wait_indirect_dma semaphore(%arg23 : memref<!tpu.dma_semaphore, #tpu.memory_space<semaphore_mem>>) src(%dma_wait3A_149 : memref<10000x128xf32, #tpu.memory_space<hbm>>) dst(%arg14 : memref<128x128xf32, #tpu.memory_space<vmem>>)
      %lt3A_150 = arith.constant 25 : i32
      %lt3A_151 = arith.cmpi slt, %scan3A_63, %lt3A_150 : i32
      %convert_element_type3A_152 = arith.extui %lt3A_151 : i1 to i32
      %cond3A_153 = arith.constant 0 : i32
      %cond3A_154 = arith.cmpi ne, %convert_element_type3A_152, %cond3A_153 : i32
      scf.if %cond3A_154 {
        %add3A_173 = arith.constant 3 : i32
        %add3A_174 = arith.addi %add3A_146, %add3A_173 : i32
        %dma_start3A_175 = arith.constant 0 : i32
        %dma_start3A_176 = tpu.memref_slice %arg3[%add3A, %add3A_174, %dma_start3A_175] : memref<32x79x128xi32, #tpu.memory_space<hbm>> -> memref<1x1x128xi32, #tpu.memory_space<hbm>>
        %dma_start3A_177 = tpu.memref_squeeze %dma_start3A_176 : memref<1x1x128xi32, #tpu.memory_space<hbm>> -> memref<128xi32, #tpu.memory_space<hbm>>
        %dma_start3A_178 = arith.constant 0 : i32
        %dma_start3A_179 = tpu.memref_slice %arg3[%add3A, %add3A_174, %dma_start3A_178] : memref<32x79x128xi32, #tpu.memory_space<hbm>> -> memref<1x1x128xi32, #tpu.memory_space<hbm>>
        %dma_start3A_180 = tpu.memref_squeeze %dma_start3A_179 : memref<1x1x128xi32, #tpu.memory_space<hbm>> -> memref<128xi32, #tpu.memory_space<hbm>>
        tpu.enqueue_dma source(%dma_start3A_180 : memref<128xi32, #tpu.memory_space<hbm>>) target(%arg8 : memref<128xi32, #tpu.memory_space<vmem>>) target_semaphore(%arg17 : memref<!tpu.dma_semaphore, #tpu.memory_space<semaphore_mem>>)
      } else {
      }
      %dma_wait3A_155 = arith.constant 0 : i32
      %dma_wait3A_156 = arith.constant 0 : i32
      %dma_wait3A_157 = tpu.memref_slice %arg4[%add3A, %dma_wait3A_155, %dma_wait3A_156] : memref<32x79x128xi32, #tpu.memory_space<hbm>> -> memref<1x1x128xi32, #tpu.memory_space<hbm>>
      %dma_wait3A_158 = tpu.memref_squeeze %dma_wait3A_157 : memref<1x1x128xi32, #tpu.memory_space<hbm>> -> memref<128xi32, #tpu.memory_space<hbm>>
      %dma_wait3A_159 = arith.constant 0 : i32
      %dma_wait3A_160 = tpu.memref_slice %arg4[%add3A, %dma_wait3A_155, %dma_wait3A_159] : memref<32x79x128xi32, #tpu.memory_space<hbm>> -> memref<1x1x128xi32, #tpu.memory_space<hbm>>
      %dma_wait3A_161 = tpu.memref_squeeze %dma_wait3A_160 : memref<1x1x128xi32, #tpu.memory_space<hbm>> -> memref<128xi32, #tpu.memory_space<hbm>>
      tpu.wait_dma2 semaphore(%arg20 : memref<!tpu.dma_semaphore, #tpu.memory_space<semaphore_mem>>) src(%dma_wait3A_161 : memref<128xi32, #tpu.memory_space<hbm>>) dst(%arg11 : memref<128xi32, #tpu.memory_space<vmem>>)
      %dma_start3A_162 = arith.constant 0 : i32
      %dma_start3A_163 = arith.constant 0 : i32
      %dma_start3A_164 = tpu.memref_slice %arg29[%dma_start3A_162, %dma_start3A_163] : memref<10048x128xf32, #tpu.memory_space<vmem_shared>> -> memref<10048x128xf32, #tpu.memory_space<vmem_shared>>
      tpu.enqueue_indirect_dma source(%arg14 : memref<128x128xf32, #tpu.memory_space<vmem>>) target(%dma_start3A_164 : memref<10048x128xf32, #tpu.memory_space<vmem_shared>>) offsets(%arg11 : memref<128xi32, #tpu.memory_space<vmem>>) semaphore(%arg26 : memref<!tpu.dma_semaphore, #tpu.memory_space<semaphore_mem>>) {add = true}
      %dma_wait3A_165 = arith.constant 0 : i32
      %dma_wait3A_166 = arith.constant 0 : i32
      %dma_wait3A_167 = tpu.memref_slice %arg29[%dma_wait3A_165, %dma_wait3A_166] : memref<10048x128xf32, #tpu.memory_space<vmem_shared>> -> memref<10048x128xf32, #tpu.memory_space<vmem_shared>>
      tpu.wait_indirect_dma semaphore(%arg28 : memref<!tpu.dma_semaphore, #tpu.memory_space<semaphore_mem>>) src(%arg16 : memref<128x128xf32, #tpu.memory_space<vmem>>) dst(%dma_wait3A_167 : memref<10048x128xf32, #tpu.memory_space<vmem_shared>>)
      %lt3A_168 = arith.constant 25 : i32
      %lt3A_169 = arith.cmpi slt, %scan3A_63, %lt3A_168 : i32
      %convert_element_type3A_170 = arith.extui %lt3A_169 : i1 to i32
      %cond3A_171 = arith.constant 0 : i32
      %cond3A_172 = arith.cmpi ne, %convert_element_type3A_170, %cond3A_171 : i32
      scf.if %cond3A_172 {
        %add3A_173 = arith.constant 2 : i32
        %add3A_174 = arith.addi %add3A_146, %add3A_173 : i32
        %dma_start3A_175 = arith.constant 0 : i32
        %dma_start3A_176 = tpu.memref_slice %arg4[%add3A, %add3A_174, %dma_start3A_175] : memref<32x79x128xi32, #tpu.memory_space<hbm>> -> memref<1x1x128xi32, #tpu.memory_space<hbm>>
        %dma_start3A_177 = tpu.memref_squeeze %dma_start3A_176 : memref<1x1x128xi32, #tpu.memory_space<hbm>> -> memref<128xi32, #tpu.memory_space<hbm>>
        %dma_start3A_178 = arith.constant 0 : i32
        %dma_start3A_179 = tpu.memref_slice %arg4[%add3A, %add3A_174, %dma_start3A_178] : memref<32x79x128xi32, #tpu.memory_space<hbm>> -> memref<1x1x128xi32, #tpu.memory_space<hbm>>
        %dma_start3A_180 = tpu.memref_squeeze %dma_start3A_179 : memref<1x1x128xi32, #tpu.memory_space<hbm>> -> memref<128xi32, #tpu.memory_space<hbm>>
        tpu.enqueue_dma source(%dma_start3A_180 : memref<128xi32, #tpu.memory_space<hbm>>) target(%arg13 : memref<128xi32, #tpu.memory_space<vmem>>) target_semaphore(%arg22 : memref<!tpu.dma_semaphore, #tpu.memory_space<semaphore_mem>>)
        %dma_wait3A_181 = arith.constant 0 : i32
        %dma_wait3A_182 = arith.constant 0 : i32
        %dma_wait3A_183 = tpu.memref_slice %arg3[%add3A, %dma_wait3A_181, %dma_wait3A_182] : memref<32x79x128xi32, #tpu.memory_space<hbm>> -> memref<1x1x128xi32, #tpu.memory_space<hbm>>
        %dma_wait3A_184 = tpu.memref_squeeze %dma_wait3A_183 : memref<1x1x128xi32, #tpu.memory_space<hbm>> -> memref<128xi32, #tpu.memory_space<hbm>>
        %dma_wait3A_185 = arith.constant 0 : i32
        %dma_wait3A_186 = tpu.memref_slice %arg3[%add3A, %dma_wait3A_181, %dma_wait3A_185] : memref<32x79x128xi32, #tpu.memory_space<hbm>> -> memref<1x1x128xi32, #tpu.memory_space<hbm>>
        %dma_wait3A_187 = tpu.memref_squeeze %dma_wait3A_186 : memref<1x1x128xi32, #tpu.memory_space<hbm>> -> memref<128xi32, #tpu.memory_space<hbm>>
        tpu.wait_dma2 semaphore(%arg19 : memref<!tpu.dma_semaphore, #tpu.memory_space<semaphore_mem>>) src(%dma_wait3A_187 : memref<128xi32, #tpu.memory_space<hbm>>) dst(%arg10 : memref<128xi32, #tpu.memory_space<vmem>>)
        %dma_start3A_188 = arith.constant 0 : i32
        %dma_start3A_189 = arith.constant 0 : i32
        %dma_start3A_190 = tpu.memref_slice %arg2[%dma_start3A_188, %dma_start3A_189] : memref<10000x128xf32, #tpu.memory_space<hbm>> -> memref<10000x128xf32, #tpu.memory_space<hbm>>
        tpu.enqueue_indirect_dma source(%dma_start3A_190 : memref<10000x128xf32, #tpu.memory_space<hbm>>) target(%arg16 : memref<128x128xf32, #tpu.memory_space<vmem>>) offsets(%arg10 : memref<128xi32, #tpu.memory_space<vmem>>) semaphore(%arg25 : memref<!tpu.dma_semaphore, #tpu.memory_space<semaphore_mem>>)
      } else {
      }
    }
    %scan3A_44 = arith.constant 26 : i32
    %dma_wait3A_45 = arith.constant 0 : i32
    %dma_wait3A_46 = arith.constant 0 : i32
    %dma_wait3A_47 = tpu.memref_slice %arg29[%dma_wait3A_45, %dma_wait3A_46] : memref<10048x128xf32, #tpu.memory_space<vmem_shared>> -> memref<10048x128xf32, #tpu.memory_space<vmem_shared>>
    tpu.wait_indirect_dma semaphore(%arg26 : memref<!tpu.dma_semaphore, #tpu.memory_space<semaphore_mem>>) src(%arg14 : memref<128x128xf32, #tpu.memory_space<vmem>>) dst(%dma_wait3A_47 : memref<10048x128xf32, #tpu.memory_space<vmem_shared>>)
    %barrier3A_48 = arith.constant 0 : index
    tpu.barrier barrier_id(%barrier3A_48)
    %eq3A = arith.constant 0 : i32
    %eq3A_49 = arith.cmpi eq, %arg0, %eq3A : i32
    %lt3A_50 = arith.constant 10 : i32
    %lt3A_51 = arith.cmpi slt, %arg1, %lt3A_50 : i32
    %and3A = arith.andi %eq3A_49, %lt3A_51 : i1
    %convert_element_type3A_52 = arith.extui %and3A : i1 to i32
    %cond3A_53 = arith.constant 0 : i32
    %cond3A_54 = arith.cmpi ne, %convert_element_type3A_52, %cond3A_53 : i32
    scf.if %cond3A_54 {
      %mul3A_63 = arith.constant 1000 : i32
      %mul3A_64 = arith.muli %arg1, %mul3A_63 : i32
      %mul3A_65 = arith.constant 1000 : i32
      %mul3A_66 = arith.muli %arg1, %mul3A_65 : i32
      "tpu.region"() ({
        %run_scoped3A_67 = tpu.sem_alloc : memref<!tpu.dma_semaphore, #tpu.memory_space<semaphore_mem>>
        %dma_start3A_68 = arith.constant 0 : i32
        %dma_start3A_69 = tpu.memref_slice %arg6[%mul3A_66, %dma_start3A_68] : memref<10000x128xf32, #tpu.memory_space<hbm>> -> memref<1000x128xf32, #tpu.memory_space<hbm>>
        %dma_start3A_70 = arith.constant 0 : i32
        %dma_start3A_71 = tpu.memref_slice %arg29[%mul3A_64, %dma_start3A_70] : memref<10048x128xf32, #tpu.memory_space<vmem_shared>> -> memref<1000x128xf32, #tpu.memory_space<vmem_shared>>
        tpu.enqueue_dma source(%dma_start3A_71 : memref<1000x128xf32, #tpu.memory_space<vmem_shared>>) target(%dma_start3A_69 : memref<1000x128xf32, #tpu.memory_space<hbm>>) target_semaphore(%run_scoped3A_67 : memref<!tpu.dma_semaphore, #tpu.memory_space<semaphore_mem>>)
        %dma_wait3A_72 = arith.constant 0 : i32
        %dma_wait3A_73 = tpu.memref_slice %arg6[%mul3A_66, %dma_wait3A_72] : memref<10000x128xf32, #tpu.memory_space<hbm>> -> memref<1000x128xf32, #tpu.memory_space<hbm>>
        %dma_wait3A_74 = arith.constant 0 : i32
        %dma_wait3A_75 = tpu.memref_slice %arg29[%mul3A_64, %dma_wait3A_74] : memref<10048x128xf32, #tpu.memory_space<vmem_shared>> -> memref<1000x128xf32, #tpu.memory_space<vmem_shared>>
        tpu.wait_dma2 semaphore(%run_scoped3A_67 : memref<!tpu.dma_semaphore, #tpu.memory_space<semaphore_mem>>) src(%dma_wait3A_75 : memref<1000x128xf32, #tpu.memory_space<vmem_shared>>) dst(%dma_wait3A_73 : memref<1000x128xf32, #tpu.memory_space<hbm>>)
        tpu.yield
      }) : () -> ()
    } else {
    }
    %eq3A_55 = arith.constant 1 : i32
    %eq3A_56 = arith.cmpi eq, %arg0, %eq3A_55 : i32
    %lt3A_57 = arith.constant 10 : i32
    %lt3A_58 = arith.cmpi slt, %arg1, %lt3A_57 : i32
    %and3A_59 = arith.andi %eq3A_56, %lt3A_58 : i1
    %convert_element_type3A_60 = arith.extui %and3A_59 : i1 to i32
    %cond3A_61 = arith.constant 0 : i32
    %cond3A_62 = arith.cmpi ne, %convert_element_type3A_60, %cond3A_61 : i32
    scf.if %cond3A_62 {
      %mul3A_63 = arith.constant 1000 : i32
      %mul3A_64 = arith.muli %arg1, %mul3A_63 : i32
      %mul3A_65 = arith.constant 1000 : i32
      %mul3A_66 = arith.muli %arg1, %mul3A_65 : i32
      "tpu.region"() ({
        %run_scoped3A_67 = tpu.sem_alloc : memref<!tpu.dma_semaphore, #tpu.memory_space<semaphore_mem>>
        %dma_start3A_68 = arith.constant 0 : i32
        %dma_start3A_69 = tpu.memref_slice %arg7[%mul3A_66, %dma_start3A_68] : memref<10000x128xf32, #tpu.memory_space<hbm>> -> memref<1000x128xf32, #tpu.memory_space<hbm>>
        %dma_start3A_70 = arith.constant 0 : i32
        %dma_start3A_71 = tpu.memref_slice %arg29[%mul3A_64, %dma_start3A_70] : memref<10048x128xf32, #tpu.memory_space<vmem_shared>> -> memref<1000x128xf32, #tpu.memory_space<vmem_shared>>
        tpu.enqueue_dma source(%dma_start3A_71 : memref<1000x128xf32, #tpu.memory_space<vmem_shared>>) target(%dma_start3A_69 : memref<1000x128xf32, #tpu.memory_space<hbm>>) target_semaphore(%run_scoped3A_67 : memref<!tpu.dma_semaphore, #tpu.memory_space<semaphore_mem>>)
        %dma_wait3A_72 = arith.constant 0 : i32
        %dma_wait3A_73 = tpu.memref_slice %arg7[%mul3A_66, %dma_wait3A_72] : memref<10000x128xf32, #tpu.memory_space<hbm>> -> memref<1000x128xf32, #tpu.memory_space<hbm>>
        %dma_wait3A_74 = arith.constant 0 : i32
        %dma_wait3A_75 = tpu.memref_slice %arg29[%mul3A_64, %dma_wait3A_74] : memref<10048x128xf32, #tpu.memory_space<vmem_shared>> -> memref<1000x128xf32, #tpu.memory_space<vmem_shared>>
        tpu.wait_dma2 semaphore(%run_scoped3A_67 : memref<!tpu.dma_semaphore, #tpu.memory_space<semaphore_mem>>) src(%dma_wait3A_75 : memref<1000x128xf32, #tpu.memory_space<vmem_shared>>) dst(%dma_wait3A_73 : memref<1000x128xf32, #tpu.memory_space<hbm>>)
        tpu.yield
      }) : () -> ()
    } else {
    }
    return
  }
}

module attributes {stable_mosaic.version = 14 : i64} {
  func.func @_mm_body(%arg0: i32, %arg1: memref<1000x128xf32, #tpu.memory_space<vmem>>, %arg2: memref<128x128xf32, #tpu.memory_space<vmem>>, %arg3: memref<1000x128xf32, #tpu.memory_space<vmem>>) attributes {dimension_semantics = [#tpu.dimension_semantics<arbitrary>], iteration_bounds = array<i64: 10>, scalar_prefetch = 0 : i64, scratch_operands = 0 : i64, tpu.core_type = #tpu.core_type<tc>, window_params = [{transform_indices = @transform_0, window_bounds = array<i64: 1000, 128>}, {pipeline_mode = #tpu.pipeline_mode<synchronous>, transform_indices = @transform_1, window_bounds = array<i64: 128, 128>}, {transform_indices = @transform_2, window_bounds = array<i64: 1000, 128>}]} {
    %get3A = arith.constant 0 : index
    %get3A_0 = arith.constant 0 : index
    %get3A_1 = vector.load %arg1[%get3A, %get3A_0] : memref<1000x128xf32, #tpu.memory_space<vmem>>, vector<1000x128xf32>
    %get3A_2 = arith.constant 0 : index
    %get3A_3 = arith.constant 0 : index
    %get3A_4 = vector.load %arg2[%get3A_2, %get3A_3] : memref<128x128xf32, #tpu.memory_space<vmem>>, vector<128x128xf32>
    %dot_general3A = arith.constant dense<0.000000e+00> : vector<1000x128xf32>
    %dot_general3A_5 = tpu.matmul %get3A_1, %get3A_4, %dot_general3A {dimension_numbers = #tpu.dot_dimension_numbers<[1], [0], [0], [1], [0, 0, 1, 1], [], []>, precision = #tpu.contract_precision<fp32>, transpose_lhs_hint = false} : vector<1000x128xf32>, vector<128x128xf32>, vector<1000x128xf32> -> vector<1000x128xf32>
    %swap3A = arith.constant 0 : index
    %swap3A_6 = arith.constant 0 : index
    %swap3A_7 = vector.load %arg3[%swap3A, %swap3A_6] : memref<1000x128xf32, #tpu.memory_space<vmem>>, vector<1000x128xf32>
    tpu.vector_store %arg3[%swap3A, %swap3A_6], %dot_general3A_5 {strides = array<i32>} : memref<1000x128xf32, #tpu.memory_space<vmem>>, vector<1000x128xf32>,
    return
  }
  func.func @transform_0(%arg0: i32) -> (i32, i32) {
    %c0_i32 = arith.constant 0 : i32
    %c0_i32_0 = arith.constant 0 : i32
    return %arg0, %c0_i32 : i32, i32
  }
  func.func @transform_1(%arg0: i32) -> (i32, i32) {
    %c0_i32 = arith.constant 0 : i32
    %c0_i32_0 = arith.constant 0 : i32
    %c0_i32_1 = arith.constant 0 : i32
    return %c0_i32, %c0_i32_0 : i32, i32
  }
  func.func @transform_2(%arg0: i32) -> (i32, i32) {
    %c0_i32 = arith.constant 0 : i32
    %c0_i32_0 = arith.constant 0 : i32
    return %arg0, %c0_i32 : i32, i32
  }
}

module attributes {stable_mosaic.version = 14 : i64} {
  func.func @_scale_body(%arg0: i32, %arg1: memref<1000x1xf32, #tpu.memory_space<vmem>>, %arg2: memref<1000x1xf32, #tpu.memory_space<vmem>>, %arg3: memref<1000x128xf32, #tpu.memory_space<vmem>>, %arg4: memref<1000x1xf32, #tpu.memory_space<vmem>>, %arg5: memref<1000x128xf32, #tpu.memory_space<vmem>>) attributes {dimension_semantics = [#tpu.dimension_semantics<arbitrary>], iteration_bounds = array<i64: 10>, scalar_prefetch = 0 : i64, scratch_operands = 0 : i64, tpu.core_type = #tpu.core_type<tc>, window_params = [{transform_indices = @transform_0, window_bounds = array<i64: 1000, 1>}, {transform_indices = @transform_1, window_bounds = array<i64: 1000, 1>}, {transform_indices = @transform_2, window_bounds = array<i64: 1000, 128>}, {transform_indices = @transform_3, window_bounds = array<i64: 1000, 1>}, {transform_indices = @transform_4, window_bounds = array<i64: 1000, 128>}]} {
    %get3A = arith.constant 0 : index
    %get3A_0 = arith.constant 0 : index
    %get3A_1 = vector.load %arg1[%get3A, %get3A_0] : memref<1000x1xf32, #tpu.memory_space<vmem>>, vector<1000x1xf32>
    %get3A_2 = arith.constant 0 : index
    %get3A_3 = arith.constant 0 : index
    %get3A_4 = vector.load %arg2[%get3A_2, %get3A_3] : memref<1000x1xf32, #tpu.memory_space<vmem>>, vector<1000x1xf32>
    %add3A = arith.addf %get3A_1, %get3A_4 : vector<1000x1xf32>
    %add3A_5 = arith.constant 1.000000e+00 : f32
    %add3A_6 = vector.broadcast %add3A_5 : f32 to vector<1000x1xf32>
    %add3A_7 = arith.addf %add3A, %add3A_6 : vector<1000x1xf32>
    %rsqrt3A = math.rsqrt %add3A_7 : vector<1000x1xf32>
    %swap3A = arith.constant 0 : index
    %swap3A_8 = arith.constant 0 : index
    %swap3A_9 = vector.load %arg4[%swap3A, %swap3A_8] : memref<1000x1xf32, #tpu.memory_space<vmem>>, vector<1000x1xf32>
    tpu.vector_store %arg4[%swap3A, %swap3A_8], %rsqrt3A {strides = array<i32>} : memref<1000x1xf32, #tpu.memory_space<vmem>>, vector<1000x1xf32>,
    %get3A_10 = arith.constant 0 : index
    %get3A_11 = arith.constant 0 : index
    %get3A_12 = vector.load %arg3[%get3A_10, %get3A_11] : memref<1000x128xf32, #tpu.memory_space<vmem>>, vector<1000x128xf32>
    %mul3A = vector.broadcast %rsqrt3A : vector<1000x1xf32> to vector<1000x128xf32>
    %mul3A_13 = arith.mulf %get3A_12, %mul3A : vector<1000x128xf32>
    %swap3A_14 = arith.constant 0 : index
    %swap3A_15 = arith.constant 0 : index
    %swap3A_16 = vector.load %arg5[%swap3A_14, %swap3A_15] : memref<1000x128xf32, #tpu.memory_space<vmem>>, vector<1000x128xf32>
    tpu.vector_store %arg5[%swap3A_14, %swap3A_15], %mul3A_13 {strides = array<i32>} : memref<1000x128xf32, #tpu.memory_space<vmem>>, vector<1000x128xf32>,
    return
  }
  func.func @transform_0(%arg0: i32) -> (i32, i32) {
    %c0_i32 = arith.constant 0 : i32
    %c0_i32_0 = arith.constant 0 : i32
    return %arg0, %c0_i32 : i32, i32
  }
  func.func @transform_1(%arg0: i32) -> (i32, i32) {
    %c0_i32 = arith.constant 0 : i32
    %c0_i32_0 = arith.constant 0 : i32
    return %arg0, %c0_i32 : i32, i32
  }
  func.func @transform_2(%arg0: i32) -> (i32, i32) {
    %c0_i32 = arith.constant 0 : i32
    %c0_i32_0 = arith.constant 0 : i32
    return %arg0, %c0_i32 : i32, i32
  }
  func.func @transform_3(%arg0: i32) -> (i32, i32) {
    %c0_i32 = arith.constant 0 : i32
    %c0_i32_0 = arith.constant 0 : i32
    return %arg0, %c0_i32 : i32, i32
  }
  func.func @transform_4(%arg0: i32) -> (i32, i32) {
    %c0_i32 = arith.constant 0 : i32
    %c0_i32_0 = arith.constant 0 : i32
    return %arg0, %c0_i32 : i32, i32
  }
}

module attributes {stable_mosaic.version = 14 : i64} {
  func.func @_layer2_body(%arg0: i32, %arg1: memref<1000x128xf32, #tpu.memory_space<vmem>>, %arg2: memref<1000x128xf32, #tpu.memory_space<vmem>>, %arg3: memref<1000x128xf32, #tpu.memory_space<vmem>>, %arg4: memref<1000x1xf32, #tpu.memory_space<vmem>>, %arg5: memref<1x128xf32, #tpu.memory_space<vmem>>, %arg6: memref<128x128xf32, #tpu.memory_space<vmem>>, %arg7: memref<1000x128xf32, #tpu.memory_space<vmem>>) attributes {dimension_semantics = [#tpu.dimension_semantics<arbitrary>], iteration_bounds = array<i64: 10>, scalar_prefetch = 0 : i64, scratch_operands = 0 : i64, tpu.core_type = #tpu.core_type<tc>, window_params = [{transform_indices = @transform_0, window_bounds = array<i64: 1000, 128>}, {transform_indices = @transform_1, window_bounds = array<i64: 1000, 128>}, {transform_indices = @transform_2, window_bounds = array<i64: 1000, 128>}, {transform_indices = @transform_3, window_bounds = array<i64: 1000, 1>}, {pipeline_mode = #tpu.pipeline_mode<synchronous>, transform_indices = @transform_4, window_bounds = array<i64: 1, 128>}, {pipeline_mode = #tpu.pipeline_mode<synchronous>, transform_indices = @transform_5, window_bounds = array<i64: 128, 128>}, {transform_indices = @transform_6, window_bounds = array<i64: 1000, 128>}]} {
    %get3A = arith.constant 0 : index
    %get3A_0 = arith.constant 0 : index
    %get3A_1 = vector.load %arg1[%get3A, %get3A_0] : memref<1000x128xf32, #tpu.memory_space<vmem>>, vector<1000x128xf32>
    %get3A_2 = arith.constant 0 : index
    %get3A_3 = arith.constant 0 : index
    %get3A_4 = vector.load %arg2[%get3A_2, %get3A_3] : memref<1000x128xf32, #tpu.memory_space<vmem>>, vector<1000x128xf32>
    %add3A = arith.addf %get3A_1, %get3A_4 : vector<1000x128xf32>
    %get3A_5 = arith.constant 0 : index
    %get3A_6 = arith.constant 0 : index
    %get3A_7 = vector.load %arg4[%get3A_5, %get3A_6] : memref<1000x1xf32, #tpu.memory_space<vmem>>, vector<1000x1xf32>
    %get3A_8 = arith.constant 0 : index
    %get3A_9 = arith.constant 0 : index
    %get3A_10 = vector.load %arg3[%get3A_8, %get3A_9] : memref<1000x128xf32, #tpu.memory_space<vmem>>, vector<1000x128xf32>
    %add3A_11 = arith.addf %add3A, %get3A_10 : vector<1000x128xf32>
    %mul3A = vector.broadcast %get3A_7 : vector<1000x1xf32> to vector<1000x128xf32>
    %mul3A_12 = arith.mulf %mul3A, %add3A_11 : vector<1000x128xf32>
    %get3A_13 = arith.constant 0 : index
    %get3A_14 = arith.constant 0 : index
    %get3A_15 = vector.load %arg5[%get3A_13, %get3A_14] : memref<1x128xf32, #tpu.memory_space<vmem>>, vector<1x128xf32>
    %add3A_16 = vector.broadcast %get3A_15 : vector<1x128xf32> to vector<1000x128xf32>
    %add3A_17 = arith.addf %mul3A_12, %add3A_16 : vector<1000x128xf32>
    %max3A = arith.constant 0.000000e+00 : f32
    %max3A_18 = vector.broadcast %max3A : f32 to vector<1000x128xf32>
    %max3A_19 = arith.maximumf %add3A_17, %max3A_18 : vector<1000x128xf32>
    %get3A_20 = arith.constant 0 : index
    %get3A_21 = arith.constant 0 : index
    %get3A_22 = vector.load %arg6[%get3A_20, %get3A_21] : memref<128x128xf32, #tpu.memory_space<vmem>>, vector<128x128xf32>
    %dot_general3A = arith.constant dense<0.000000e+00> : vector<1000x128xf32>
    %dot_general3A_23 = tpu.matmul %max3A_19, %get3A_22, %dot_general3A {dimension_numbers = #tpu.dot_dimension_numbers<[1], [0], [0], [1], [0, 0, 1, 1], [], []>, precision = #tpu.contract_precision<fp32>, transpose_lhs_hint = false} : vector<1000x128xf32>, vector<128x128xf32>, vector<1000x128xf32> -> vector<1000x128xf32>
    %get3A_24 = arith.constant 0 : index
    %get3A_25 = arith.constant 0 : index
    %get3A_26 = vector.load %arg4[%get3A_24, %get3A_25] : memref<1000x1xf32, #tpu.memory_space<vmem>>, vector<1000x1xf32>
    %mul3A_27 = vector.broadcast %get3A_26 : vector<1000x1xf32> to vector<1000x128xf32>
    %mul3A_28 = arith.mulf %dot_general3A_23, %mul3A_27 : vector<1000x128xf32>
    %swap3A = arith.constant 0 : index
    %swap3A_29 = arith.constant 0 : index
    %swap3A_30 = vector.load %arg7[%swap3A, %swap3A_29] : memref<1000x128xf32, #tpu.memory_space<vmem>>, vector<1000x128xf32>
    tpu.vector_store %arg7[%swap3A, %swap3A_29], %mul3A_28 {strides = array<i32>} : memref<1000x128xf32, #tpu.memory_space<vmem>>, vector<1000x128xf32>,
    return
  }
  func.func @transform_0(%arg0: i32) -> (i32, i32) {
    %c0_i32 = arith.constant 0 : i32
    %c0_i32_0 = arith.constant 0 : i32
    return %arg0, %c0_i32 : i32, i32
  }
  func.func @transform_1(%arg0: i32) -> (i32, i32) {
    %c0_i32 = arith.constant 0 : i32
    %c0_i32_0 = arith.constant 0 : i32
    return %arg0, %c0_i32 : i32, i32
  }
  func.func @transform_2(%arg0: i32) -> (i32, i32) {
    %c0_i32 = arith.constant 0 : i32
    %c0_i32_0 = arith.constant 0 : i32
    return %arg0, %c0_i32 : i32, i32
  }
  func.func @transform_3(%arg0: i32) -> (i32, i32) {
    %c0_i32 = arith.constant 0 : i32
    %c0_i32_0 = arith.constant 0 : i32
    return %arg0, %c0_i32 : i32, i32
  }
  func.func @transform_4(%arg0: i32) -> (i32, i32) {
    %c0_i32 = arith.constant 0 : i32
    %c0_i32_0 = arith.constant 0 : i32
    %c0_i32_1 = arith.constant 0 : i32
    return %c0_i32, %c0_i32_0 : i32, i32
  }
  func.func @transform_5(%arg0: i32) -> (i32, i32) {
    %c0_i32 = arith.constant 0 : i32
    %c0_i32_0 = arith.constant 0 : i32
    %c0_i32_1 = arith.constant 0 : i32
    return %c0_i32, %c0_i32_0 : i32, i32
  }
  func.func @transform_6(%arg0: i32) -> (i32, i32) {
    %c0_i32 = arith.constant 0 : i32
    %c0_i32_0 = arith.constant 0 : i32
    return %arg0, %c0_i32 : i32, i32
  }
}

module attributes {stable_mosaic.version = 14 : i64} {
  func.func @_out_body(%arg0: i32, %arg1: memref<1000x128xf32, #tpu.memory_space<vmem>>, %arg2: memref<1000x128xf32, #tpu.memory_space<vmem>>, %arg3: memref<1000x128xf32, #tpu.memory_space<vmem>>, %arg4: memref<1000x1xf32, #tpu.memory_space<vmem>>, %arg5: memref<1x128xf32, #tpu.memory_space<vmem>>, %arg6: memref<1000x128xf32, #tpu.memory_space<vmem>>) attributes {dimension_semantics = [#tpu.dimension_semantics<arbitrary>], iteration_bounds = array<i64: 10>, scalar_prefetch = 0 : i64, scratch_operands = 0 : i64, tpu.core_type = #tpu.core_type<tc>, window_params = [{transform_indices = @transform_0, window_bounds = array<i64: 1000, 128>}, {transform_indices = @transform_1, window_bounds = array<i64: 1000, 128>}, {transform_indices = @transform_2, window_bounds = array<i64: 1000, 128>}, {transform_indices = @transform_3, window_bounds = array<i64: 1000, 1>}, {pipeline_mode = #tpu.pipeline_mode<synchronous>, transform_indices = @transform_4, window_bounds = array<i64: 1, 128>}, {transform_indices = @transform_5, window_bounds = array<i64: 1000, 128>}]} {
    %get3A = arith.constant 0 : index
    %get3A_0 = arith.constant 0 : index
    %get3A_1 = vector.load %arg1[%get3A, %get3A_0] : memref<1000x128xf32, #tpu.memory_space<vmem>>, vector<1000x128xf32>
    %get3A_2 = arith.constant 0 : index
    %get3A_3 = arith.constant 0 : index
    %get3A_4 = vector.load %arg2[%get3A_2, %get3A_3] : memref<1000x128xf32, #tpu.memory_space<vmem>>, vector<1000x128xf32>
    %add3A = arith.addf %get3A_1, %get3A_4 : vector<1000x128xf32>
    %get3A_5 = arith.constant 0 : index
    %get3A_6 = arith.constant 0 : index
    %get3A_7 = vector.load %arg4[%get3A_5, %get3A_6] : memref<1000x1xf32, #tpu.memory_space<vmem>>, vector<1000x1xf32>
    %get3A_8 = arith.constant 0 : index
    %get3A_9 = arith.constant 0 : index
    %get3A_10 = vector.load %arg3[%get3A_8, %get3A_9] : memref<1000x128xf32, #tpu.memory_space<vmem>>, vector<1000x128xf32>
    %add3A_11 = arith.addf %add3A, %get3A_10 : vector<1000x128xf32>
    %mul3A = vector.broadcast %get3A_7 : vector<1000x1xf32> to vector<1000x128xf32>
    %mul3A_12 = arith.mulf %mul3A, %add3A_11 : vector<1000x128xf32>
    %get3A_13 = arith.constant 0 : index
    %get3A_14 = arith.constant 0 : index
    %get3A_15 = vector.load %arg5[%get3A_13, %get3A_14] : memref<1x128xf32, #tpu.memory_space<vmem>>, vector<1x128xf32>
    %add3A_16 = vector.broadcast %get3A_15 : vector<1x128xf32> to vector<1000x128xf32>
    %add3A_17 = arith.addf %mul3A_12, %add3A_16 : vector<1000x128xf32>
    %div3A = arith.constant 2.000000e-01 : f32
    %div3A_18 = vector.broadcast %div3A : f32 to vector<1000x128xf32>
    %div3A_19 = arith.divf %add3A_17, %div3A_18 : vector<1000x128xf32>
    %reduce_max3A = arith.constant dense<0xFF800000> : vector<1000xf32>
    %reduce_max3A_20 = vector.multi_reduction <maximumf>, %div3A_19, %reduce_max3A [1] : vector<1000x128xf32> to vector<1000xf32>
    %broadcast_in_dim3A = vector.shape_cast %reduce_max3A_20 : vector<1000xf32> to vector<1000x1xf32>
    %sub3A = vector.broadcast %broadcast_in_dim3A : vector<1000x1xf32> to vector<1000x128xf32>
    %sub3A_21 = arith.subf %div3A_19, %sub3A : vector<1000x128xf32>
    %exp3A = math.exp %sub3A_21 : vector<1000x128xf32>
    %reduce_sum3A = arith.constant dense<0.000000e+00> : vector<1000xf32>
    %reduce_sum3A_22 = vector.multi_reduction <add>, %exp3A, %reduce_sum3A [1] : vector<1000x128xf32> to vector<1000xf32>
    %broadcast_in_dim3A_23 = vector.shape_cast %reduce_sum3A_22 : vector<1000xf32> to vector<1000x1xf32>
    %log3A = math.log %broadcast_in_dim3A_23 : vector<1000x1xf32>
    %add3A_24 = arith.addf %log3A, %broadcast_in_dim3A : vector<1000x1xf32>
    %sub3A_25 = vector.broadcast %add3A_24 : vector<1000x1xf32> to vector<1000x128xf32>
    %sub3A_26 = arith.subf %div3A_19, %sub3A_25 : vector<1000x128xf32>
    %swap3A = arith.constant 0 : index
    %swap3A_27 = arith.constant 0 : index
    %swap3A_28 = vector.load %arg6[%swap3A, %swap3A_27] : memref<1000x128xf32, #tpu.memory_space<vmem>>, vector<1000x128xf32>
    tpu.vector_store %arg6[%swap3A, %swap3A_27], %sub3A_26 {strides = array<i32>} : memref<1000x128xf32, #tpu.memory_space<vmem>>, vector<1000x128xf32>,
    return
  }
  func.func @transform_0(%arg0: i32) -> (i32, i32) {
    %c0_i32 = arith.constant 0 : i32
    %c0_i32_0 = arith.constant 0 : i32
    return %arg0, %c0_i32 : i32, i32
  }
  func.func @transform_1(%arg0: i32) -> (i32, i32) {
    %c0_i32 = arith.constant 0 : i32
    %c0_i32_0 = arith.constant 0 : i32
    return %arg0, %c0_i32 : i32, i32
  }
  func.func @transform_2(%arg0: i32) -> (i32, i32) {
    %c0_i32 = arith.constant 0 : i32
    %c0_i32_0 = arith.constant 0 : i32
    return %arg0, %c0_i32 : i32, i32
  }
  func.func @transform_3(%arg0: i32) -> (i32, i32) {
    %c0_i32 = arith.constant 0 : i32
    %c0_i32_0 = arith.constant 0 : i32
    return %arg0, %c0_i32 : i32, i32
  }
  func.func @transform_4(%arg0: i32) -> (i32, i32) {
    %c0_i32 = arith.constant 0 : i32
    %c0_i32_0 = arith.constant 0 : i32
    %c0_i32_1 = arith.constant 0 : i32
    return %c0_i32, %c0_i32_0 : i32, i32
  }
  func.func @transform_5(%arg0: i32) -> (i32, i32) {
    %c0_i32 = arith.constant 0 : i32
    %c0_i32_0 = arith.constant 0 : i32
    return %arg0, %c0_i32 : i32, i32
  }
}

</mosaic_0001>

<sc_bundles>
// kernel: kernel.12.cloned.1.call-start
scs
__scs_entry_jumppad:
0x0: {  	(pc) =	sbr.rel $0x88, $3  }
0x1: {  	(tag) =	ssettag $0x0;
	lr =	simm.s32 $0x1  }
0x2: {  	[smem:$0x3F9B] =	sst lr;
	_ =	strace $0xD0000000  }
0x3: {  	_ = 	snop  }
0x4: {  	_ = 	snop  }
0x5: {  	_ = 	snop  }
0x6: {  	_ = 	snop  }
0x7: {  	_ = 	snop  }
__scs_overlays_trampoline_lowered:
0x8: {  	[smem:$0x3FAA] =	sst s0  }
0x9: {  	[smem:$0x3FAB] =	sst s1  }
0xa: {  	[smem:$0x3FAC] =	sst s2  }
0xb: {  	[smem:$0x3FAD] =	sst s3  }
0xc: {  	[smem:$0x3FAE] =	sst s4  }
0xd: {  	[smem:$0x3FAF] =	sst s5  }
0xe: {  	[smem:$0x3FB0] =	sst s6  }
0xf: {  	[smem:$0x3FB1] =	sst s7  }
0x10: {  	[smem:$0x3FB2] =	sst s8  }
0x11: {  	[smem:$0x3FB3] =	sst s9;
	s0 =	simm.s32 @!p0 $0x0  }
0x12: {  	s1 =	sld [smem:$0x3F99];
	s0 =	simm.s32 @p0 $0x1  }
0x13: {  	[smem:$0x3FB4] =	sst s0;
	s0 =	simm.s32 @!p1 $0x0  }
0x14: {  	s2 =	sld [smem:$0x3F98];
	s0 =	simm.s32 @p1 $0x1  }
0x15: {  	[smem:$0x3FB5] =	sst s0;
	s0 =	simm.s32 @!p2 $0x0  }
0x16: {  	s3 =	sld [smem:$0x3FDB];
	s0 =	simm.s32 @p2 $0x1  }
0x17: {  	s4 =	simm.s32 $0x1BF5;
	[smem:$0x3FB7] =	sst s0  }
0x18: {  	s0 =	sld [smem:$0x3F9A];
	_ =	swait.ge [sflag:s4], $0x0  }
0x19: {  	s7 =	sld [smem:$0x3F9B]  }
0x1a: {  	s8 =	sadd.s32 $0xFFFFE003, lr  }
0x1b: {  	s9 =	sadd.s32 $0xFFFFFEF7, lr;
	s5 =	simm.s32 $0xFFFFFFFF;
	p2 =	slt.u32 s8, $0xFFFFF086  }
0x1c: {  	p1 =	slt.u32 s9, $0xF7A;
	s5 =	simm.s32 @!p2 $0x0  }
0x1d: {  	s5 =	simm.s32 @p1 $0x1;
	p0 =	seq.s32 s7, s2  }
0x1e: {  	s7 =	smul.u32 @!p0 $0xF7A, s2;
	p2 =	seq.s32 @!p0 s5, $0x0  }
0x1f: {  	s9 =	smul.u32 $0xF7A, s1;
	s8 =	simm.s32 @!p0 $0x1BF5;
	p2 =	por !p2, p0  }
0x20: {  	[sflag:s8] =	ssyncset.s32 @!p0 $0xFFFFF086;
	s6 =	sadd.s32 @!p0 s3, s7;
	s7 =	simm.s32 @!p0 $0x108  }
0x21: {  	s3 =	sadd.s32 s3, s9;
	s6 =	sadd.s32 @!p0 $0x88, s6;
	s7 =	simm.s32 @p2 $0x1082  }
0x22: {  	[simem:s7], [sflag:s8] =	dma.local @!p0 [hbm:s6], $0xF7A  }
0x23: {  	s9 =	sor.u32 $0xD0000000, s2;
	s6 =	simm.s32 $0x108;
	_ =	swait.ge @!p0 [sflag:s8], $0x0  }
0x24: {  	s3 =	sadd.s32 $0x88, s3;
	s6 =	simm.s32 @!p1 $0x1082;
	[sflag:s4] =	ssyncset.s32 $0xFFFFF086  }
0x25: {  	[simem:s6], [sflag:s4] =	dma.local [hbm:s3], $0xF7A  }
0x26: {  	[smem:$0x3F9B] =	sst s1;
	(tag) =	ssettag s2;
	_ =	strace s9  }
0x27: {  	s1 =	sld [smem:$0x3FAB]  }
0x28: {  	s2 =	sld [smem:$0x3FAC]  }
0x29: {  	s4 =	sld [smem:$0x3FAE]  }
0x2a: {  	p0 =	seq.s32 s5, $0x0;
	s5 =	sld [smem:$0x3FAF]  }
0x2b: {  	s6 =	sld [smem:$0x3FB0]  }
0x2c: {  	s7 =	sld [smem:$0x3FB1]  }
0x2d: {  	s3 =	simm.s32 $0x108;
	s8 =	sld [smem:$0x3FB2]  }
0x2e: {  	s3 =	simm.s32 @!p0 $0x1082;
	s9 =	sld [smem:$0x3FB3]  }
0x2f: {  	lr =	sadd.s32 s0, s3;
	s0 =	sld [smem:$0x3FAA]  }
0x30: {  	s3 =	sld [smem:$0x3FAD]  }
0x31: {  	[smem:$0x3FB6] =	sst s10  }
0x32: {  	s10 =	sld [smem:$0x3FB4];
	_ =	sdelay $0x3  }
0x33: {  	p0 =	seq.s32 s10, $0x1;
	s10 =	sld [smem:$0x3FB6];
	_ =	sdelay $0x3  }
0x34: {  	[smem:$0x3FB6] =	sst s10  }
0x35: {  	s10 =	sld [smem:$0x3FB5];
	_ =	sdelay $0x3  }
0x36: {  	p1 =	seq.s32 s10, $0x1;
	s10 =	sld [smem:$0x3FB6];
	_ =	sdelay $0x3  }
0x37: {  	[smem:$0x3FB6] =	sst s10  }
0x38: {  	s10 =	sld [smem:$0x3FB7]  }
0x39: {  	_ = 	snop;
	(pc) =	sbr.ind lr, $3  }
0x3a: {  	_ = 	snop  }
0x3b: {  	_ = 	snop  }
0x3c: {  	p2 =	seq.s32 s10, $0x1;
	s10 =	sld [smem:$0x3FB6]  }
0x3d: {  	_ =	shalt  }
0x3e: {  	_ =	shalt  }
0x3f: {  	_ =	shalt  }
0x40: {  	_ =	shalt  }
0x41: {  	_ =	shalt  }
0x42: {  	_ =	shalt  }
0x43: {  	_ =	shalt  }
0x44: {  	_ =	shalt  }
0x45: {  	_ =	shalt  }
0x46: {  	_ =	shalt  }
0x47: {  	_ =	shalt  }
0x48: {  	_ =	shalt  }
0x49: {  	_ =	shalt  }
0x4a: {  	_ =	shalt  }
0x4b: {  	_ =	shalt  }
0x4c: {  	_ =	shalt  }
0x4d: {  	_ =	shalt  }
0x4e: {  	_ =	shalt  }
0x4f: {  	_ =	shalt  }
0x50: {  	_ =	shalt  }
0x51: {  	_ =	shalt  }
0x52: {  	_ =	shalt  }
0x53: {  	_ =	shalt  }
0x54: {  	_ =	shalt  }
0x55: {  	_ =	shalt  }
0x56: {  	_ =	shalt  }
0x57: {  	_ =	shalt  }
0x58: {  	_ =	shalt  }
0x59: {  	_ =	shalt  }
0x5a: {  	_ =	shalt  }
0x5b: {  	_ =	shalt  }
0x5c: {  	_ =	shalt  }
0x5d: {  	_ =	shalt  }
0x5e: {  	_ =	shalt  }
0x5f: {  	_ =	shalt  }
0x60: {  	_ =	shalt  }
0x61: {  	_ =	shalt  }
0x62: {  	_ =	shalt  }
0x63: {  	_ =	shalt  }
0x64: {  	_ =	shalt  }
0x65: {  	_ =	shalt  }
0x66: {  	_ =	shalt  }
0x67: {  	_ =	shalt  }
0x68: {  	_ =	shalt  }
0x69: {  	_ =	shalt  }
0x6a: {  	_ =	shalt  }
0x6b: {  	_ =	shalt  }
0x6c: {  	_ =	shalt  }
0x6d: {  	_ =	shalt  }
0x6e: {  	_ =	shalt  }
0x6f: {  	_ =	shalt  }
0x70: {  	_ =	shalt  }
0x71: {  	_ =	shalt  }
0x72: {  	_ =	shalt  }
0x73: {  	_ =	shalt  }
0x74: {  	_ =	shalt  }
0x75: {  	_ =	shalt  }
0x76: {  	_ =	shalt  }
0x77: {  	_ =	shalt  }
0x78: {  	_ =	shalt  }
0x79: {  	_ =	shalt  }
0x7a: {  	_ =	shalt  }
0x7b: {  	_ =	shalt  }
0x7c: {  	_ =	shalt  }
0x7d: {  	_ =	shalt  }
0x7e: {  	_ =	shalt  }
0x7f: {  	_ =	shalt  }
0x80: {  	_ =	shalt  }
0x81: {  	_ =	shalt  }
0x82: {  	_ =	shalt  }
0x83: {  	_ =	shalt  }
0x84: {  	_ =	shalt  }
0x85: {  	_ =	shalt  }
0x86: {  	_ =	shalt  }
0x87: {  	_ =	shalt  }
.Lfunc_end0:
.L_simem_size_0:
called_computation.1_lowered:
.L_overlay_start_0:
0x88: {  	s2 =	sld [smem:$0x3FD9]  }
0x89: {  	s3 =	sld [smem:$0x3FFE];
	_ =	sdelay $0x1  }
0x8a: {  	s1 =	srdreg.scid  }
0x8b: {  	s0 =	sand.u32 $0x1, s1  }
0x8c: {  	s17 =	sshll.u32 s0, $0xA;
	s2 =	sadd.s32 s3, s2  }
0x8d: {  	s2 =	sadd.s32 s2, s17  }
0x8e: {  	[smem:$0x3FC2] =	sst s2  }
0x8f: {  	_ = 	snop  }
0x90: {  	s2 =	sld [smem:$0x3FD0];
	(tm) =	ssettm $0x1  }
0x91: {  	s18 =	sld [smem:$0x3FFB];
	_ =	sdelay $0x3  }
0x92: {  	_ =	strace s18  }
0x93: {  	s3 =	sld [smem:$0x3FFC];
	_ =	sdelay $0x3  }
0x94: {  	_ =	strace s3  }
0x95: {  	s3 =	sld [smem:$0x3FFD];
	_ =	sdelay $0x3  }
0x96: {  	_ =	strace s3  }
0x97: {  	_ =	strace $0x8FFFFFFF  }
0x98: {  	s19 =	sld [smem:$0x3FDB];
	_ =	sdelay $0x1  }
0x99: {  	s4 =	simm.s32 $_scs_section_size  }
0x9a: {  	s5 =	simm.s32 $_size__tile_overlayer_lowered;
	s6 =	simm.s32 $_tile_overlayer_lowered  }
0x9b: {  	s22 =	simm.s32 $0x1BFF;
	s21 =	sshll.u32 s6, $0x1;
	s3 =	sadd.s32 s4, s19  }
0x9c: {  	s7 =	simm.s32 $0x0;
	s20 =	sshll.u32 s5, $0x1;
	s5 =	sadd.s32 s21, s3  }
0x9d: {  	[timem:s7], [sflag:s22] =	dma.local [hbm:s5], s20  }
0x9e: {  	_ =	swait.ge [sflag:s22], s20  }
0x9f: {  	s4 =	ssub.s32 $0x0, s20;
	[sflag:s22] =	ssyncset.done $0x0  }
0xa0: {  	[sflag:s22] =	ssyncadd.s32 s4;
	_ =	sdelay $0x1  }
0xa1: {  	s23 =	simm.s32 $0x1B8B  }
0xa2: {  	_ =	swait.ge [sflag:s23], $0x1  }
0xa3: {  	[sflag:s23] =	ssyncset.done $0x0  }
0xa4: {  	s25 =	simm.s32 $0x1B8E;
	s24 =	sld [smem:$0x3FFE];
	[sflag:s23] =	ssyncadd.s32 $0xFFFFFFFF  }
0xa5: {  	s26 =	simm.s32 $execute0_lowered;
	[smem:$0x3FD2] =	sst s25  }
0xa6: {  	s5 =	sshll.u32 s26, $0x1;
	_ =	strace $0x80000049;
	[dreg:$0x1] =	wrdreg $0xFFFFFFFF  }
0xa7: {  	s28 =	simm.s32 $_size_execute0_lowered;
	s3 =	sadd.s32 s3, s5;
	[dreg:$0x0] =	wrdreg $0x0  }
0xa8: {  	s5 =	sshll.u32 s28, $0x1;
	[dreg:$0x2] =	wrdreg s3  }
0xa9: {  	[dreg:$0x3] =	wrdreg s5  }
0xaa: {  	[dreg:$0x4] =	wrdreg $0xC0  }
0xab: {  	_ =	task [dreg:s7], $0x5FFFF  }
0xac: {  	[dreg:$0x1] =	wrdreg $0xFFFFFFFF  }
0xad: {  	[dreg:$0x0] =	wrdreg $0x60  }
0xae: {  	[dreg:$0x2] =	wrdreg s2  }
0xaf: {  	[dreg:$0x3] =	wrdreg s24  }
0xb0: {  	[dreg:$0x4] =	wrdreg $0xC3000  }
0xb1: {  	[dreg:$0x5] =	wrdreg $0x9  }
0xb2: {  	_ =	task.clear_ibuf [dreg:s7], $0x6FFFF;
	_ =	strace $0x90000049  }
0xb3: {  	s29 =	simm.s32 $0x9;
	_ =	strace $0x8000004B  }
0xb4: {  	_ =	swait.ge [sflag:s29], $0x1  }
0xb5: {  	[sflag:s29] =	ssyncadd.s32 $0xFFFFFFFF  }
0xb6: {  	_ =	strace $0x9000004B  }
0xb7: {  	_ =	sfence  }
0xb8: {  	s30 =	sld [smem:$0x0];
	_ =	sdelay $0x2  }
0xb9: {  	s31 =	sshll.u32 s1, $0xD;
	s1 =	sshrl.u32 s1, $0x2  }
0xba: {  	s3 =	sand.u32 $0x4000, s31;
	s1 =	sadd.s32 s1, s30  }
0xbb: {  	s0 =	sor.u32 s3, s0;
	s1 =	sshll.u32 s1, $0x11  }
0xbc: {  	s0 =	sor.u32 s1, s0  }
0xbd: {  	s0 =	sadd.s32 $0x8F2B, s0  }
0xbe: {  	[sflag:s0] =	ssyncadd.remote.s32 $0x1  }
0xbf: {  	_ =	sfence.sel $0xFFFF  }
0xc0: {  	[dreg:$0x0] =	wrdreg $0xFFFFFFFF;
	(pc) =	sbr.abs _section_cstart, $3  }
0xc1: {  	[dreg:$0x1] =	wrdreg $0xFFFFFFFF  }
0xc2: {  	_ =	task.clear_ibuf [dreg:s7], $0x2FFFF;
	_ =	strace $0x9FFFFFFF  }
0xc3: {  	(tm) =	ssettm $0x7FFFFFFF  }
tec
execute0_lowered:
.L_overlay_start_1:
0x0: {  	(tag) =	ssettag $0x1  }
0x1: {  	s1 =	rddreg [dreg:$0x0]  }
0x2: {  	s0 =	rddreg [dreg:$0x1]  }
0x3: {  	s2 =	rddreg [dreg:$0x2];
	s4 =	simm.s32 $0x0;
	s3 =	srdreg.scid  }
0x4: {  	s13 =	stileid.u32;
	s28 =	simm.s32 $0x300;
	s29 =	simm.s32 $0x4300  }
0x5: {  	s31 =	simm.s32 $0x280;
	s16 =	simm.s32 $0x0;
	[smem:$0x7FF] =	sst s4  }
0x6: {  	s3 =	sand.u32 $0x1, s3;
	s5 =	sadd.s32 $0xF200, s0;
	s8 =	smul.u32 $0x3E80, s13  }
0x7: {  	s10 =	smul.u32 $0x7D000, s13;
	s12 =	sadd.s32 $0x40400, s0;
	p1 =	slt.u32 s13, $0xA  }
0x8: {  	_ =	strace $0x8000004A;
	s6 =	sshll.u32 s3, $0x4;
	s9 =	ssub.s32 $0x2, s3  }
0x9: {  	[dreg:$0x4] =	wrdreg s12;
	p0 =	seq.s32 s3, $0x0;
	p2 =	seq.s32 s3, $0x1  }
0xa: {  	s3 =	simm.s32 $0x5;
	s12 =	simm.s32 $0x1;
	s7 =	sor.u32 s13, s6  }
0xb: {  	s6 =	sadd.s32 $0x4000, s0;
	s11 =	sshrl.u32 s9, $0x1;
	s0 =	sadd.s32 s8, s0  }
0xc: {  	s18 =	sshrl.u32 s10, $0x2;
	p0 =	por !p0, !p1;
	p1 =	por !p1, !p2  }
0xd: {  	p2 =	sgt.u32 s13, $0x9;
	s8 =	simm.s32 $0x8;
	s7 =	smul.u32 $0x2800, s7  }
0xe: {  	s17 =	ssub.s32 s9, s11;
	s9 =	sadd.s32 s18, s2;
	s26 =	sadd.s32 $0x44400, s0  }
0xf: {  	p0 =	por !p0, !p0;
	s0 =	sadd.s32 $0x6B600, s0;
	[dreg:$0xd] =	wrdreg s26  }
0x10: {  	p1 =	por !p1, !p1;
	s11 =	simm.s32 $0xA;
	[dreg:$0xe] =	wrdreg s0  }
0x11: {  	s30 =	smax.u32 s17, $0x1;
	s0 =	sshll.u32 @!p2 s13, $0x6;
	[dreg:$0x5] =	wrdreg s9  }
0x12: {  	s19 =	sshrl.u32 s7, $0x3;
	[dreg:$0xf] =	wrdreg s30;
	s0 =	sor.u32 @!p2 $0x1C0D, s0  }
0x13: {  	s26 =	simm.s32 $0x200;
	s10 =	sadd.s32 s6, s19;
	[dreg:$0x10] =	wrdreg s0  }
0x14: {  	s13 =	simm.s32 $0x9;
	s14 =	sadd.s32 s5, s19;
	[dreg:$0x9] =	wrdreg s10  }
0x15: {  	s20 =	sor.u32 $0x10, s19;
	s0 =	sshrl.u32 @!p2 s9, $0x3;
	[dreg:$0x6] =	wrdreg s14  }
0x16: {  	s21 =	sor.u32 $0x20, s19;
	s15 =	sadd.s32 s5, s20;
	[dreg:$0x11] =	wrdreg s0  }
0x17: {  	s22 =	sadd.s32 s5, s21;
	s23 =	sadd.s32 s6, s20;
	[dreg:$0x7] =	wrdreg s15  }
.Ltmp0:
0x18: {  	s24 =	sadd.s32 $0x30, s14;
	[dreg:$0x8] =	wrdreg s22;
	(pc) =	sbr.rel .LBB2_1-.Ltmp0, $4  }
0x19: {  	s25 =	sadd.s32 s6, s21;
	s0 =	simm.s32 $0x8300;
	[dreg:$0xa] =	wrdreg s23  }
0x1a: {  	s14 =	simm.s32 $0x4;
	s10 =	simm.s32 $0x3;
	[dreg:$0xb] =	wrdreg s24  }
0x1b: {  	[dreg:$0xc] =	wrdreg s25;
	s22 =	simm.s32 $0xD;
	s23 =	simm.s32 $0x80  }
0x1c: {  	s24 =	simm.s32 $0x100;
	s25 =	simm.s32 $0x180;
	s15 =	simm.s32 $0xC  }
.LBB2_4:
0x1d: {  	_ =	swait.ge [sflag:s11], $0x4000  }
0x1e: {  	[sflag:s11] =	ssyncset.done $0x0  }
0x1f: {  	[sflag:s11] =	ssyncadd.s32 $0xFFFFC000  }
0x20: {  	s19 =	stileid.u32;
	[bflag:$0x0] =	sbarrier.arrive $0xFFFF  }
0x21: {  	s9 =	sshll.u32 @p0 s19, $0x6;
	s20 =	rddreg [dreg:$0x5]  }
0x22: {  	s9 =	sor.u32 @p0 $0x1C0D, s9;
	s18 =	rddreg [dreg:$0xd];
	s17 =	sshrl.u32 @p0 s20, $0x3  }
0x23: {  	[hbm:s18], [sflag:s9] =	dma.local @p0 [spmem:s17], $0x3E80  }
0x24: {  	s9 =	simm.s32 @p0 $0xD  }
0x25: {  	_ =	swait.ge @p0 [sflag:s9], $0x3E80  }
0x26: {  	s17 =	sshll.u32 @p1 s19, $0x6;
	[sflag:s9] =	ssyncset.done @p0 $0x0;
	s19 =	rddreg [dreg:$0xe]  }
0x27: {  	[sflag:s9] =	ssyncadd.s32 @p0 $0xFFFFC180;
	s9 =	sor.u32 @p1 $0x1C0D, s17;
	s17 =	sshrl.u32 @p1 s20, $0x3  }
0x28: {  	[hbm:s19], [sflag:s9] =	dma.local @p1 [spmem:s17], $0x3E80  }
0x29: {  	s9 =	simm.s32 @p1 $0xD  }
0x2a: {  	_ =	swait.ge @p1 [sflag:s9], $0x3E80  }
0x2b: {  	s16 =	sadd.s32 $0x1, s16;
	s30 =	rddreg [dreg:$0xf]  }
0x2c: {  	p3 =	sne.s32 s16, s30  }
.Ltmp1:
0x2d: {  	_ = 	snop;
	(pc) =	sbr.rel @!p3 .LBB2_5-.Ltmp1, $3  }
0x2e: {  	_ =	sdelay $0x1  }
0x2f: {  	[sflag:s9] =	ssyncset.done @p1 $0x0  }
0x30: {  	s18 =	stileid.u32;
	[sflag:s9] =	ssyncadd.s32 @p1 $0xFFFFC180  }
.LBB2_1:
0x31: {  	s9 =	rddreg [dreg:$0x4]  }
0x32: {  	s17 =	rddreg [dreg:$0x10]  }
0x33: {  	s18 =	rddreg [dreg:$0x11]  }
0x34: {  	[spmem:s18], [sflag:s17] =	dma.local @!p2 [hbm:s9], $0x3E80  }
0x35: {  	s17 =	simm.s32 @!p2 $0xD  }
0x36: {  	_ =	swait.ge @!p2 [sflag:s17], $0x3E80  }
0x37: {  	[sflag:s17] =	ssyncset.done @!p2 $0x0  }
0x38: {  	s21 =	rddreg [dreg:$0x6];
	[sflag:s17] =	ssyncadd.s32 @!p2 $0xFFFFC180  }
0x39: {  	[tilespmem:s4], [sflag:$0xD] =	stream.linear.gather [hbm4b:s21+s4], $0x80, $0x38;
	[tilespmem:$0x1FD00] =	vst v63  }
0x3a: {  	_ =	swait.ge [sflag:s22], $0x80  }
0x3b: {  	[sflag:s22] =	ssyncset.done $0x0  }
0x3c: {  	s30 =	rddreg [dreg:$0x7];
	[sflag:s22] =	ssyncadd.s32 $0xFFFFFF80  }
0x3d: {  	[tilespmem:s23], [sflag:$0xD] =	stream.linear.gather [hbm4b:s30+s4], $0x80, $0x38;
	[tilespmem:$0x1FD00] =	vst v63  }
0x3e: {  	_ =	swait.ge [sflag:s22], $0x80  }
0x3f: {  	[sflag:s22] =	ssyncset.done $0x0  }
0x40: {  	s17 =	rddreg [dreg:$0x8];
	[sflag:s22] =	ssyncadd.s32 $0xFFFFFF80  }
0x41: {  	[tilespmem:s24], [sflag:$0xD] =	stream.linear.gather [hbm4b:s17+s4], $0x80, $0x38;
	[tilespmem:$0x1FD00] =	vst v63  }
0x42: {  	_ =	swait.ge [sflag:s22], $0x80  }
0x43: {  	[sflag:s22] =	ssyncset.done $0x0  }
0x44: {  	s18 =	rddreg [dreg:$0x9];
	[sflag:s22] =	ssyncadd.s32 $0xFFFFFF80  }
0x45: {  	[tilespmem:s25], [sflag:$0xD] =	stream.linear.gather [hbm4b:s18+s4], $0x80, $0x38;
	[tilespmem:$0x1FD00] =	vst v63  }
0x46: {  	_ =	swait.ge [sflag:s22], $0x80  }
0x47: {  	[sflag:s22] =	ssyncset.done $0x0  }
0x48: {  	s19 =	rddreg [dreg:$0xa];
	[sflag:s22] =	ssyncadd.s32 $0xFFFFFF80  }
0x49: {  	[tilespmem:s26], [sflag:$0x5] =	stream.linear.gather [hbm4b:s19+s4], $0x80, $0x38;
	[tilespmem:$0x1FD00] =	vst v63  }
0x4a: {  	[bflag:$0x0] =	sbarrier.arrive $0xFFFF  }
0x4b: {  	[tilespmem:s28], [sflag:$0x7] =	stream.indirect.gather [hbm4b:s1+s23], $0x80, s4, s23, $0xb8;
	[tilespmem:$0x1FD00] =	vst v63  }
0x4c: {  	s20 =	simm.s32 $0x7  }
0x4d: {  	[tilespmem:s29], [sflag:$0x8] =	stream.indirect.gather [hbm4b:s1+s23], $0x80, s23, s23, $0xb8;
	[tilespmem:$0x1FD00] =	vst v63  }
0x4e: {  	_ =	swait.ge [sflag:s20], $0x4000  }
0x4f: {  	[sflag:s20] =	ssyncset.done $0x0  }
0x50: {  	s21 =	rddreg [dreg:$0xb];
	[sflag:s20] =	ssyncadd.s32 $0xFFFFC000  }
0x51: {  	[tilespmem:s4], [sflag:$0x1] =	stream.linear.gather [hbm4b:s21+s4], $0x80, $0x38;
	[tilespmem:$0x1FD00] =	vst v63  }
0x52: {  	_ = 	snop  }
0x53: {  	[spmem:s2] =	stream.indirect.scatter.add.f32 [tilespmem:s28], [sflag:$0xA], $0x80, s25, s23, $0xb8;
	[tilespmem:$0x1FD00] =	vst v63  }
0x54: {  	s30 =	rddreg [dreg:$0xc]  }
0x55: {  	[tilespmem:s31], [sflag:$0x6] =	stream.linear.gather [hbm4b:s30+s4], $0x80, $0x38;
	[tilespmem:$0x1FD00] =	vst v63  }
0x56: {  	s18 =	simm.s32 $0x0  }
0x57: {  	[tilespmem:s0], [sflag:$0x9] =	stream.indirect.gather [hbm4b:s1+s23], $0x80, s24, s23, $0xb8;
	[tilespmem:$0x1FD00] =	vst v63  }
.LBB2_2:
0x58: {  	p3 =	seq.s32 s18, $0x2580  }
0x59: {  	s17 =	sadd.s32 @!p3 $0x200, s18  }
0x5a: {  	s19 =	sand.u32 @!p3 $0x7C00, s17  }
0x5b: {  	s17 =	sand.u32 @!p3 $0x380, s17;
	s19 =	sadd.s32 @!p3 s7, s19  }
0x5c: {  	_ =	swait.ge [sflag:s8], $0x4000;
	s17 =	sor.u32 @!p3 s17, s19  }
0x5d: {  	[sflag:s8] =	ssyncset.done $0x0;
	s20 =	simm.s32 @!p3 $0x80;
	s17 =	sshrl.u32 @!p3 s17, $0x3  }
0x5e: {  	[sflag:s8] =	ssyncadd.s32 $0xFFFFC000;
	s19 =	simm.s32 @!p3 $0x0;
	s17 =	sadd.s32 @!p3 s5, s17  }
0x5f: {  	[tilespmem:s20], [sflag:$0x2] =	stream.linear.gather @!p3 [hbm4b:s17+s19], $0x80, $0x38;
	[tilespmem:$0x1FD00] =	vst v63  }
0x60: {  	s17 =	smov.u32 s18  }
0x61: {  	_ =	swait.ge [sflag:s3], $0x80;
	s17 =	simm.s32 @p3 $0x2580  }
0x62: {  	[sflag:s3] =	ssyncset.done $0x0;
	s21 =	sadd.s32 $0x180, s17  }
0x63: {  	[sflag:s3] =	ssyncadd.s32 $0xFFFFFF80;
	s30 =	sand.u32 $0x7C00, s21  }
0x64: {  	[spmem:s2] =	stream.indirect.scatter.add.f32 [tilespmem:s29], [sflag:$0xB], $0x80, s26, s23, $0xb8;
	[tilespmem:$0x1FD00] =	vst v63  }
0x65: {  	s21 =	sand.u32 $0x380, s21;
	s30 =	sadd.s32 s7, s30  }
0x66: {  	_ =	swait.ge [sflag:s11], $0x4000;
	s21 =	sor.u32 s21, s30  }
0x67: {  	[sflag:s11] =	ssyncset.done $0x0;
	s21 =	sshrl.u32 s21, $0x3  }
0x68: {  	[sflag:s11] =	ssyncadd.s32 $0xFFFFC000;
	s21 =	sadd.s32 s6, s21  }
0x69: {  	[tilespmem:s25], [sflag:$0x4] =	stream.linear.gather [hbm4b:s21+s4], $0x80, $0x38;
	[tilespmem:$0x1FD00] =	vst v63  }
0x6a: {  	_ =	swait.ge [sflag:s12], $0x80  }
0x6b: {  	[sflag:s12] =	ssyncset.done $0x0  }
0x6c: {  	[sflag:s12] =	ssyncadd.s32 $0xFFFFFF80  }
0x6d: {  	[tilespmem:s28], [sflag:$0x7] =	stream.indirect.gather [hbm4b:s1+s23], $0x80, s4, s23, $0xb8;
	[tilespmem:$0x1FD00] =	vst v63  }
0x6e: {  	_ =	swait.ge [sflag:s13], $0x4000  }
0x6f: {  	[sflag:s13] =	ssyncset.done $0x0  }
0x70: {  	s21 =	simm.s32 @p3 $0x6;
	[sflag:s13] =	ssyncadd.s32 $0xFFFFC000  }
0x71: {  	_ =	swait.ge @p3 [sflag:s21], $0x80  }
0x72: {  	s9 =	simm.s32 @p3 $0x8300;
	[sflag:s21] =	ssyncset.done @p3 $0x0  }
0x73: {  	s30 =	simm.s32 @p3 $0x280;
	[sflag:s21] =	ssyncadd.s32 @p3 $0xFFFFFF80;
	s21 =	simm.s32 @p3 $0x80  }
0x74: {  	[spmem:s2] =	stream.indirect.scatter.add.f32 @p3 [tilespmem:s9], [sflag:$0xC], $0x80, s30, s21, $0xb8;
	[tilespmem:$0x1FD00] =	vst v63  }
0x75: {  	s9 =	simm.s32 @p3 $0xB  }
0x76: {  	_ =	swait.ge @p3 [sflag:s9], $0x4000  }
0x77: {  	s21 =	sadd.s32 @!p3 $0x280, s17;
	[sflag:s9] =	ssyncset.done @p3 $0x0  }
0x78: {  	[sflag:s9] =	ssyncadd.s32 @p3 $0xFFFFC000;
	s9 =	sand.u32 @!p3 $0x7C00, s21  }
0x79: {  	s30 =	simm.s32 @p3 $0x7;
	s21 =	sand.u32 @!p3 $0x380, s21;
	s9 =	sadd.s32 @!p3 s7, s9  }
0x7a: {  	_ =	swait.ge @p3 [sflag:s30], $0x4000;
	s9 =	sor.u32 @!p3 s21, s9  }
0x7b: {  	[sflag:s30] =	ssyncset.done @p3 $0x0;
	s9 =	sshrl.u32 @!p3 s9, $0x3  }
0x7c: {  	s21 =	simm.s32 @!p3 $0x100;
	[sflag:s30] =	ssyncadd.s32 @p3 $0xFFFFC000;
	s9 =	sadd.s32 @!p3 s5, s9  }
0x7d: {  	[tilespmem:s21], [sflag:$0x3] =	stream.linear.gather @!p3 [hbm4b:s9+s19], $0x80, $0x38;
	[tilespmem:$0x1FD00] =	vst v63  }
0x7e: {  	s9 =	simm.s32 @!p3 $0x6  }
0x7f: {  	_ =	swait.ge @!p3 [sflag:s9], $0x80  }
0x80: {  	[sflag:s9] =	ssyncset.done @!p3 $0x0  }
0x81: {  	s21 =	simm.s32 @!p3 $0x8300;
	[sflag:s9] =	ssyncadd.s32 @!p3 $0xFFFFFF80;
	s9 =	simm.s32 @!p3 $0x280  }
0x82: {  	[spmem:s2] =	stream.indirect.scatter.add.f32 @!p3 [tilespmem:s21], [sflag:$0xC], $0x80, s9, s20, $0xb8;
	[tilespmem:$0x1FD00] =	vst v63  }
0x83: {  	s9 =	sadd.s32 @!p3 $0x200, s17  }
0x84: {  	s21 =	sand.u32 @!p3 $0x7C00, s9  }
0x85: {  	s30 =	simm.s32 @!p3 $0xB;
	s9 =	sand.u32 @!p3 $0x380, s9;
	s21 =	sadd.s32 @!p3 s7, s21  }
0x86: {  	_ =	swait.ge @!p3 [sflag:s30], $0x4000;
	s9 =	sor.u32 @!p3 s9, s21  }
0x87: {  	[sflag:s30] =	ssyncset.done @!p3 $0x0;
	s9 =	sshrl.u32 @!p3 s9, $0x3  }
0x88: {  	[sflag:s30] =	ssyncadd.s32 @!p3 $0xFFFFC000;
	s21 =	simm.s32 @!p3 $0x200;
	s9 =	sadd.s32 @!p3 s6, s9  }
0x89: {  	[tilespmem:s21], [sflag:$0x5] =	stream.linear.gather @!p3 [hbm4b:s9+s19], $0x80, $0x38;
	[tilespmem:$0x1FD00] =	vst v63  }
0x8a: {  	s9 =	simm.s32 @!p3 $0x2  }
0x8b: {  	_ =	swait.ge @!p3 [sflag:s9], $0x80  }
0x8c: {  	[sflag:s9] =	ssyncset.done @!p3 $0x0  }
0x8d: {  	[sflag:s9] =	ssyncadd.s32 @!p3 $0xFFFFFF80;
	s9 =	simm.s32 @!p3 $0x4300  }
0x8e: {  	[tilespmem:s9], [sflag:$0x8] =	stream.indirect.gather @!p3 [hbm4b:s1+s20], $0x80, s20, s20, $0xb8;
	[tilespmem:$0x1FD00] =	vst v63  }
0x8f: {  	s9 =	sadd.s32 @!p3 $0x300, s17  }
0x90: {  	s20 =	sand.u32 @!p3 $0x7C00, s9  }
0x91: {  	s21 =	simm.s32 @!p3 $0x7;
	s9 =	sand.u32 @!p3 $0x380, s9;
	s20 =	sadd.s32 @!p3 s7, s20  }
0x92: {  	_ =	swait.ge @!p3 [sflag:s21], $0x4000;
	s9 =	sor.u32 @!p3 s9, s20  }
0x93: {  	[sflag:s21] =	ssyncset.done @!p3 $0x0;
	s9 =	sshrl.u32 @!p3 s9, $0x3  }
0x94: {  	[sflag:s21] =	ssyncadd.s32 @!p3 $0xFFFFC000;
	s9 =	sadd.s32 @!p3 s5, s9  }
0x95: {  	[tilespmem:s19], [sflag:$0x1] =	stream.linear.gather @!p3 [hbm4b:s9+s19], $0x80, $0x38;
	[tilespmem:$0x1FD00] =	vst v63  }
0x96: {  	_ =	swait.ge [sflag:s14], $0x80  }
0x97: {  	[sflag:s14] =	ssyncset.done $0x0  }
.Ltmp2:
0x98: {  	[sflag:s14] =	ssyncadd.s32 $0xFFFFFF80;
	(pc) =	sbr.rel @p3 .LBB2_4-.Ltmp2, $4  }
0x99: {  	[spmem:s2] =	stream.indirect.scatter.add.f32 [tilespmem:s28], [sflag:$0xA], $0x80, s25, s23, $0xb8;
	[tilespmem:$0x1FD00] =	vst v63  }
0x9a: {  	_ =	swait.ge [sflag:s15], $0x4000  }
0x9b: {  	[sflag:s15] =	ssyncset.done $0x0  }
0x9c: {  	[sflag:s15] =	ssyncadd.s32 $0xFFFFC000  }
0x9d: {  	s9 =	sadd.s32 $0x280, s17  }
0x9e: {  	s17 =	sand.u32 $0x7C00, s9  }
0x9f: {  	s9 =	sand.u32 $0x380, s9;
	s17 =	sadd.s32 s7, s17  }
0xa0: {  	s9 =	sor.u32 s9, s17  }
0xa1: {  	s9 =	sshrl.u32 s9, $0x3  }
0xa2: {  	s9 =	sadd.s32 s6, s9  }
0xa3: {  	[tilespmem:s31], [sflag:$0x6] =	stream.linear.gather [hbm4b:s9+s4], $0x80, $0x38;
	[tilespmem:$0x1FD00] =	vst v63  }
.Ltmp3:
0xa4: {  	_ = 	snop;
	(pc) =	sbr.rel .LBB2_2-.Ltmp3, $4  }
0xa5: {  	_ =	swait.ge [sflag:s10], $0x80  }
0xa6: {  	[sflag:s10] =	ssyncset.done $0x0  }
0xa7: {  	s18 =	sadd.s32 $0x180, s18;
	[sflag:s10] =	ssyncadd.s32 $0xFFFFFF80  }
0xa8: {  	[tilespmem:s0], [sflag:$0x9] =	stream.indirect.gather [hbm4b:s1+s23], $0x80, s24, s23, $0xb8;
	[tilespmem:$0x1FD00] =	vst v63  }
.LBB2_5:
0xa9: {  	_ =	sfence.sel $0x180000  }
0xaa: {  	[bflag:$0x0] =	sbarrier.arrive $0xFFFF  }
0xab: {  	_ =	strace $0x9000004A  }
0xac: {  	[bflag:$0x2] =	sbarrier.arrive $0xFFFF  }
0xad: {  	p0 =	sne.s32 s18, $0x0;
	s0 =	rddreg [dreg:$0x3]  }
0xae: {  	s0 =	sadd.s32 @!p0 $0x100000, s0  }
0xaf: {  	[sflag:s0] =	ssyncadd.tile.s32 @!p0 $0x1;
	_ =	shalt  }
.Lfunc_end2:
_tile_overlayer_lowered:
.L_overlay_start_2:
0xb0: {  	(tag) =	ssettag $0x2  }
0xb1: {  	s0 =	rddreg [dreg:$0x0];
	s2 =	stileid.u32  }
0xb2: {  	s1 =	rddreg [dreg:$0x1];
	p0 =	sne.s32 s2, $0x0  }
0xb3: {  	s3 =	rddreg [dreg:$0x2];
	[bflag:$0x3] =	sbarrier.arrive $0xFFFF;
	s2 =	simm.s32 @!p0 $0x1C0D  }
0xb4: {  	[timem:s3], [sflag:s2] =	dma.local @!p0 [hbm:s0], s1  }
0xb5: {  	s0 =	simm.s32 @!p0 $0xD  }
0xb6: {  	_ =	swait.ge @!p0 [sflag:s0], s1  }
0xb7: {  	s1 =	ssub.s32 @!p0 $0x0, s1;
	[sflag:s0] =	ssyncset.done @!p0 $0x0  }
0xb8: {  	[sflag:s0] =	ssyncadd.s32 @!p0 s1  }
0xb9: {  	[bflag:$0x3] =	sbarrier.arrive $0xFFFF  }
0xba: {  	_ =	shalt  }

// kernel: kernel.15.cloned.1.call-start
scs
__scs_entry_jumppad:
0x0: {  	(pc) =	sbr.rel $0x88, $3  }
0x1: {  	(tag) =	ssettag $0x0;
	lr =	simm.s32 $0x1  }
0x2: {  	[smem:$0x3F9B] =	sst lr;
	_ =	strace $0xD0000000  }
0x3: {  	_ = 	snop  }
0x4: {  	_ = 	snop  }
0x5: {  	_ = 	snop  }
0x6: {  	_ = 	snop  }
0x7: {  	_ = 	snop  }
__scs_overlays_trampoline_lowered:
0x8: {  	[smem:$0x3FAA] =	sst s0  }
0x9: {  	[smem:$0x3FAB] =	sst s1  }
0xa: {  	[smem:$0x3FAC] =	sst s2  }
0xb: {  	[smem:$0x3FAD] =	sst s3  }
0xc: {  	[smem:$0x3FAE] =	sst s4  }
0xd: {  	[smem:$0x3FAF] =	sst s5  }
0xe: {  	[smem:$0x3FB0] =	sst s6  }
0xf: {  	[smem:$0x3FB1] =	sst s7  }
0x10: {  	[smem:$0x3FB2] =	sst s8  }
0x11: {  	[smem:$0x3FB3] =	sst s9;
	s0 =	simm.s32 @!p0 $0x0  }
0x12: {  	s1 =	sld [smem:$0x3F99];
	s0 =	simm.s32 @p0 $0x1  }
0x13: {  	[smem:$0x3FB4] =	sst s0;
	s0 =	simm.s32 @!p1 $0x0  }
0x14: {  	s2 =	sld [smem:$0x3F98];
	s0 =	simm.s32 @p1 $0x1  }
0x15: {  	[smem:$0x3FB5] =	sst s0;
	s0 =	simm.s32 @!p2 $0x0  }
0x16: {  	s3 =	sld [smem:$0x3FDB];
	s0 =	simm.s32 @p2 $0x1  }
0x17: {  	s4 =	simm.s32 $0x1BF5;
	[smem:$0x3FB7] =	sst s0  }
0x18: {  	s0 =	sld [smem:$0x3F9A];
	_ =	swait.ge [sflag:s4], $0x0  }
0x19: {  	s7 =	sld [smem:$0x3F9B]  }
0x1a: {  	s8 =	sadd.s32 $0xFFFFE003, lr  }
0x1b: {  	s9 =	sadd.s32 $0xFFFFFEF7, lr;
	s5 =	simm.s32 $0xFFFFFFFF;
	p2 =	slt.u32 s8, $0xFFFFF086  }
0x1c: {  	p1 =	slt.u32 s9, $0xF7A;
	s5 =	simm.s32 @!p2 $0x0  }
0x1d: {  	s5 =	simm.s32 @p1 $0x1;
	p0 =	seq.s32 s7, s2  }
0x1e: {  	s7 =	smul.u32 @!p0 $0xF7A, s2;
	p2 =	seq.s32 @!p0 s5, $0x0  }
0x1f: {  	s9 =	smul.u32 $0xF7A, s1;
	s8 =	simm.s32 @!p0 $0x1BF5;
	p2 =	por !p2, p0  }
0x20: {  	[sflag:s8] =	ssyncset.s32 @!p0 $0xFFFFF086;
	s6 =	sadd.s32 @!p0 s3, s7;
	s7 =	simm.s32 @!p0 $0x108  }
0x21: {  	s3 =	sadd.s32 s3, s9;
	s6 =	sadd.s32 @!p0 $0x88, s6;
	s7 =	simm.s32 @p2 $0x1082  }
0x22: {  	[simem:s7], [sflag:s8] =	dma.local @!p0 [hbm:s6], $0xF7A  }
0x23: {  	s9 =	sor.u32 $0xD0000000, s2;
	s6 =	simm.s32 $0x108;
	_ =	swait.ge @!p0 [sflag:s8], $0x0  }
0x24: {  	s3 =	sadd.s32 $0x88, s3;
	s6 =	simm.s32 @!p1 $0x1082;
	[sflag:s4] =	ssyncset.s32 $0xFFFFF086  }
0x25: {  	[simem:s6], [sflag:s4] =	dma.local [hbm:s3], $0xF7A  }
0x26: {  	[smem:$0x3F9B] =	sst s1;
	(tag) =	ssettag s2;
	_ =	strace s9  }
0x27: {  	s1 =	sld [smem:$0x3FAB]  }
0x28: {  	s2 =	sld [smem:$0x3FAC]  }
0x29: {  	s4 =	sld [smem:$0x3FAE]  }
0x2a: {  	p0 =	seq.s32 s5, $0x0;
	s5 =	sld [smem:$0x3FAF]  }
0x2b: {  	s6 =	sld [smem:$0x3FB0]  }
0x2c: {  	s7 =	sld [smem:$0x3FB1]  }
0x2d: {  	s3 =	simm.s32 $0x108;
	s8 =	sld [smem:$0x3FB2]  }
0x2e: {  	s3 =	simm.s32 @!p0 $0x1082;
	s9 =	sld [smem:$0x3FB3]  }
0x2f: {  	lr =	sadd.s32 s0, s3;
	s0 =	sld [smem:$0x3FAA]  }
0x30: {  	s3 =	sld [smem:$0x3FAD]  }
0x31: {  	[smem:$0x3FB6] =	sst s10  }
0x32: {  	s10 =	sld [smem:$0x3FB4];
	_ =	sdelay $0x3  }
0x33: {  	p0 =	seq.s32 s10, $0x1;
	s10 =	sld [smem:$0x3FB6];
	_ =	sdelay $0x3  }
0x34: {  	[smem:$0x3FB6] =	sst s10  }
0x35: {  	s10 =	sld [smem:$0x3FB5];
	_ =	sdelay $0x3  }
0x36: {  	p1 =	seq.s32 s10, $0x1;
	s10 =	sld [smem:$0x3FB6];
	_ =	sdelay $0x3  }
0x37: {  	[smem:$0x3FB6] =	sst s10  }
0x38: {  	s10 =	sld [smem:$0x3FB7]  }
0x39: {  	_ = 	snop;
	(pc) =	sbr.ind lr, $3  }
0x3a: {  	_ = 	snop  }
0x3b: {  	_ = 	snop  }
0x3c: {  	p2 =	seq.s32 s10, $0x1;
	s10 =	sld [smem:$0x3FB6]  }
0x3d: {  	_ =	shalt  }
0x3e: {  	_ =	shalt  }
0x3f: {  	_ =	shalt  }
0x40: {  	_ =	shalt  }
0x41: {  	_ =	shalt  }
0x42: {  	_ =	shalt  }
0x43: {  	_ =	shalt  }
0x44: {  	_ =	shalt  }
0x45: {  	_ =	shalt  }
0x46: {  	_ =	shalt  }
0x47: {  	_ =	shalt  }
0x48: {  	_ =	shalt  }
0x49: {  	_ =	shalt  }
0x4a: {  	_ =	shalt  }
0x4b: {  	_ =	shalt  }
0x4c: {  	_ =	shalt  }
0x4d: {  	_ =	shalt  }
0x4e: {  	_ =	shalt  }
0x4f: {  	_ =	shalt  }
0x50: {  	_ =	shalt  }
0x51: {  	_ =	shalt  }
0x52: {  	_ =	shalt  }
0x53: {  	_ =	shalt  }
0x54: {  	_ =	shalt  }
0x55: {  	_ =	shalt  }
0x56: {  	_ =	shalt  }
0x57: {  	_ =	shalt  }
0x58: {  	_ =	shalt  }
0x59: {  	_ =	shalt  }
0x5a: {  	_ =	shalt  }
0x5b: {  	_ =	shalt  }
0x5c: {  	_ =	shalt  }
0x5d: {  	_ =	shalt  }
0x5e: {  	_ =	shalt  }
0x5f: {  	_ =	shalt  }
0x60: {  	_ =	shalt  }
0x61: {  	_ =	shalt  }
0x62: {  	_ =	shalt  }
0x63: {  	_ =	shalt  }
0x64: {  	_ =	shalt  }
0x65: {  	_ =	shalt  }
0x66: {  	_ =	shalt  }
0x67: {  	_ =	shalt  }
0x68: {  	_ =	shalt  }
0x69: {  	_ =	shalt  }
0x6a: {  	_ =	shalt  }
0x6b: {  	_ =	shalt  }
0x6c: {  	_ =	shalt  }
0x6d: {  	_ =	shalt  }
0x6e: {  	_ =	shalt  }
0x6f: {  	_ =	shalt  }
0x70: {  	_ =	shalt  }
0x71: {  	_ =	shalt  }
0x72: {  	_ =	shalt  }
0x73: {  	_ =	shalt  }
0x74: {  	_ =	shalt  }
0x75: {  	_ =	shalt  }
0x76: {  	_ =	shalt  }
0x77: {  	_ =	shalt  }
0x78: {  	_ =	shalt  }
0x79: {  	_ =	shalt  }
0x7a: {  	_ =	shalt  }
0x7b: {  	_ =	shalt  }
0x7c: {  	_ =	shalt  }
0x7d: {  	_ =	shalt  }
0x7e: {  	_ =	shalt  }
0x7f: {  	_ =	shalt  }
0x80: {  	_ =	shalt  }
0x81: {  	_ =	shalt  }
0x82: {  	_ =	shalt  }
0x83: {  	_ =	shalt  }
0x84: {  	_ =	shalt  }
0x85: {  	_ =	shalt  }
0x86: {  	_ =	shalt  }
0x87: {  	_ =	shalt  }
.Lfunc_end0:
.L_simem_size_0:
called_computation.2_lowered:
.L_overlay_start_0:
0x88: {  	s2 =	sld [smem:$0x3FD9]  }
0x89: {  	s3 =	sld [smem:$0x3FFE];
	_ =	sdelay $0x1  }
0x8a: {  	s1 =	srdreg.scid  }
0x8b: {  	s0 =	sand.u32 $0x1, s1  }
0x8c: {  	s17 =	sshll.u32 s0, $0xA;
	s2 =	sadd.s32 s3, s2  }
0x8d: {  	s2 =	sadd.s32 s2, s17  }
0x8e: {  	[smem:$0x3FC2] =	sst s2  }
0x8f: {  	_ = 	snop  }
0x90: {  	s2 =	sld [smem:$0x3FD0];
	(tm) =	ssettm $0x1  }
0x91: {  	s18 =	sld [smem:$0x3FFB];
	_ =	sdelay $0x3  }
0x92: {  	_ =	strace s18  }
0x93: {  	s3 =	sld [smem:$0x3FFC];
	_ =	sdelay $0x3  }
0x94: {  	_ =	strace s3  }
0x95: {  	s3 =	sld [smem:$0x3FFD];
	_ =	sdelay $0x3  }
0x96: {  	_ =	strace s3  }
0x97: {  	_ =	strace $0x8FFFFFFF  }
0x98: {  	s19 =	sld [smem:$0x3FDB];
	_ =	sdelay $0x1  }
0x99: {  	s4 =	simm.s32 $_scs_section_size  }
0x9a: {  	s5 =	simm.s32 $_size__tile_overlayer_lowered;
	s6 =	simm.s32 $_tile_overlayer_lowered  }
0x9b: {  	s22 =	simm.s32 $0x1BFF;
	s21 =	sshll.u32 s6, $0x1;
	s3 =	sadd.s32 s4, s19  }
0x9c: {  	s7 =	simm.s32 $0x0;
	s20 =	sshll.u32 s5, $0x1;
	s5 =	sadd.s32 s21, s3  }
0x9d: {  	[timem:s7], [sflag:s22] =	dma.local [hbm:s5], s20  }
0x9e: {  	_ =	swait.ge [sflag:s22], s20  }
0x9f: {  	s4 =	ssub.s32 $0x0, s20;
	[sflag:s22] =	ssyncset.done $0x0  }
0xa0: {  	[sflag:s22] =	ssyncadd.s32 s4;
	_ =	sdelay $0x1  }
0xa1: {  	s23 =	simm.s32 $0x1B8B  }
0xa2: {  	_ =	swait.ge [sflag:s23], $0x1  }
0xa3: {  	[sflag:s23] =	ssyncset.done $0x0  }
0xa4: {  	s25 =	simm.s32 $0x1B8E;
	s24 =	sld [smem:$0x3FFE];
	[sflag:s23] =	ssyncadd.s32 $0xFFFFFFFF  }
0xa5: {  	s26 =	simm.s32 $execute0_lowered;
	[smem:$0x3FD2] =	sst s25  }
0xa6: {  	s5 =	sshll.u32 s26, $0x1;
	_ =	strace $0x8000004C;
	[dreg:$0x1] =	wrdreg $0xFFFFFFFF  }
0xa7: {  	s28 =	simm.s32 $_size_execute0_lowered;
	s3 =	sadd.s32 s3, s5;
	[dreg:$0x0] =	wrdreg $0x0  }
0xa8: {  	s5 =	sshll.u32 s28, $0x1;
	[dreg:$0x2] =	wrdreg s3  }
0xa9: {  	[dreg:$0x3] =	wrdreg s5  }
0xaa: {  	[dreg:$0x4] =	wrdreg $0xC0  }
0xab: {  	_ =	task [dreg:s7], $0x5FFFF  }
0xac: {  	[dreg:$0x1] =	wrdreg $0xFFFFFFFF  }
0xad: {  	[dreg:$0x0] =	wrdreg $0x60  }
0xae: {  	[dreg:$0x2] =	wrdreg s2  }
0xaf: {  	[dreg:$0x3] =	wrdreg s24  }
0xb0: {  	[dreg:$0x4] =	wrdreg $0xC3000  }
0xb1: {  	[dreg:$0x5] =	wrdreg $0x9  }
0xb2: {  	_ =	task.clear_ibuf [dreg:s7], $0x6FFFF;
	_ =	strace $0x9000004C  }
0xb3: {  	s29 =	simm.s32 $0x9;
	_ =	strace $0x8000004E  }
0xb4: {  	_ =	swait.ge [sflag:s29], $0x1  }
0xb5: {  	[sflag:s29] =	ssyncadd.s32 $0xFFFFFFFF  }
0xb6: {  	_ =	strace $0x9000004E  }
0xb7: {  	_ =	sfence  }
0xb8: {  	s30 =	sld [smem:$0x0];
	_ =	sdelay $0x2  }
0xb9: {  	s31 =	sshll.u32 s1, $0xD;
	s1 =	sshrl.u32 s1, $0x2  }
0xba: {  	s3 =	sand.u32 $0x4000, s31;
	s1 =	sadd.s32 s1, s30  }
0xbb: {  	s0 =	sor.u32 s3, s0;
	s1 =	sshll.u32 s1, $0x11  }
0xbc: {  	s0 =	sor.u32 s1, s0  }
0xbd: {  	s0 =	sadd.s32 $0x8F2B, s0  }
0xbe: {  	[sflag:s0] =	ssyncadd.remote.s32 $0x1  }
0xbf: {  	_ =	sfence.sel $0xFFFF  }
0xc0: {  	[dreg:$0x0] =	wrdreg $0xFFFFFFFF;
	(pc) =	sbr.abs _section_cstart, $3  }
0xc1: {  	[dreg:$0x1] =	wrdreg $0xFFFFFFFF  }
0xc2: {  	_ =	task.clear_ibuf [dreg:s7], $0x2FFFF;
	_ =	strace $0x9FFFFFFF  }
0xc3: {  	(tm) =	ssettm $0x7FFFFFFF  }
tec
execute0_lowered:
.L_overlay_start_1:
0x0: {  	(tag) =	ssettag $0x1  }
0x1: {  	s1 =	rddreg [dreg:$0x0]  }
0x2: {  	s0 =	rddreg [dreg:$0x1]  }
0x3: {  	s2 =	rddreg [dreg:$0x2];
	s4 =	simm.s32 $0x0;
	s3 =	srdreg.scid  }
0x4: {  	s13 =	stileid.u32;
	s28 =	simm.s32 $0x300;
	s29 =	simm.s32 $0x4300  }
0x5: {  	s31 =	simm.s32 $0x280;
	s16 =	simm.s32 $0x0;
	[smem:$0x7FF] =	sst s4  }
0x6: {  	s3 =	sand.u32 $0x1, s3;
	s5 =	sadd.s32 $0xF200, s0;
	s8 =	smul.u32 $0x3E80, s13  }
0x7: {  	s10 =	smul.u32 $0x7D000, s13;
	s12 =	sadd.s32 $0x40400, s0;
	p1 =	slt.u32 s13, $0xA  }
0x8: {  	_ =	strace $0x8000004D;
	s6 =	sshll.u32 s3, $0x4;
	s9 =	ssub.s32 $0x2, s3  }
0x9: {  	[dreg:$0x4] =	wrdreg s12;
	p0 =	seq.s32 s3, $0x0;
	p2 =	seq.s32 s3, $0x1  }
0xa: {  	s3 =	simm.s32 $0x5;
	s12 =	simm.s32 $0x1;
	s7 =	sor.u32 s13, s6  }
0xb: {  	s6 =	sadd.s32 $0x4000, s0;
	s11 =	sshrl.u32 s9, $0x1;
	s0 =	sadd.s32 s8, s0  }
0xc: {  	s18 =	sshrl.u32 s10, $0x2;
	p0 =	por !p0, !p1;
	p1 =	por !p1, !p2  }
0xd: {  	p2 =	sgt.u32 s13, $0x9;
	s8 =	simm.s32 $0x8;
	s7 =	smul.u32 $0x2800, s7  }
0xe: {  	s17 =	ssub.s32 s9, s11;
	s9 =	sadd.s32 s18, s2;
	s26 =	sadd.s32 $0x44400, s0  }
0xf: {  	p0 =	por !p0, !p0;
	s0 =	sadd.s32 $0x6B600, s0;
	[dreg:$0xd] =	wrdreg s26  }
0x10: {  	p1 =	por !p1, !p1;
	s11 =	simm.s32 $0xA;
	[dreg:$0xe] =	wrdreg s0  }
0x11: {  	s30 =	smax.u32 s17, $0x1;
	s0 =	sshll.u32 @!p2 s13, $0x6;
	[dreg:$0x5] =	wrdreg s9  }
0x12: {  	s19 =	sshrl.u32 s7, $0x3;
	[dreg:$0xf] =	wrdreg s30;
	s0 =	sor.u32 @!p2 $0x1C0D, s0  }
0x13: {  	s26 =	simm.s32 $0x200;
	s10 =	sadd.s32 s6, s19;
	[dreg:$0x10] =	wrdreg s0  }
0x14: {  	s13 =	simm.s32 $0x9;
	s14 =	sadd.s32 s5, s19;
	[dreg:$0x9] =	wrdreg s10  }
0x15: {  	s20 =	sor.u32 $0x10, s19;
	s0 =	sshrl.u32 @!p2 s9, $0x3;
	[dreg:$0x6] =	wrdreg s14  }
0x16: {  	s21 =	sor.u32 $0x20, s19;
	s15 =	sadd.s32 s5, s20;
	[dreg:$0x11] =	wrdreg s0  }
0x17: {  	s22 =	sadd.s32 s5, s21;
	s23 =	sadd.s32 s6, s20;
	[dreg:$0x7] =	wrdreg s15  }
.Ltmp0:
0x18: {  	s24 =	sadd.s32 $0x30, s14;
	[dreg:$0x8] =	wrdreg s22;
	(pc) =	sbr.rel .LBB2_1-.Ltmp0, $4  }
0x19: {  	s25 =	sadd.s32 s6, s21;
	s0 =	simm.s32 $0x8300;
	[dreg:$0xa] =	wrdreg s23  }
0x1a: {  	s14 =	simm.s32 $0x4;
	s10 =	simm.s32 $0x3;
	[dreg:$0xb] =	wrdreg s24  }
0x1b: {  	[dreg:$0xc] =	wrdreg s25;
	s22 =	simm.s32 $0xD;
	s23 =	simm.s32 $0x80  }
0x1c: {  	s24 =	simm.s32 $0x100;
	s25 =	simm.s32 $0x180;
	s15 =	simm.s32 $0xC  }
.LBB2_4:
0x1d: {  	_ =	swait.ge [sflag:s11], $0x4000  }
0x1e: {  	[sflag:s11] =	ssyncset.done $0x0  }
0x1f: {  	[sflag:s11] =	ssyncadd.s32 $0xFFFFC000  }
0x20: {  	s19 =	stileid.u32;
	[bflag:$0x0] =	sbarrier.arrive $0xFFFF  }
0x21: {  	s9 =	sshll.u32 @p0 s19, $0x6;
	s20 =	rddreg [dreg:$0x5]  }
0x22: {  	s9 =	sor.u32 @p0 $0x1C0D, s9;
	s18 =	rddreg [dreg:$0xd];
	s17 =	sshrl.u32 @p0 s20, $0x3  }
0x23: {  	[hbm:s18], [sflag:s9] =	dma.local @p0 [spmem:s17], $0x3E80  }
0x24: {  	s9 =	simm.s32 @p0 $0xD  }
0x25: {  	_ =	swait.ge @p0 [sflag:s9], $0x3E80  }
0x26: {  	s17 =	sshll.u32 @p1 s19, $0x6;
	[sflag:s9] =	ssyncset.done @p0 $0x0;
	s19 =	rddreg [dreg:$0xe]  }
0x27: {  	[sflag:s9] =	ssyncadd.s32 @p0 $0xFFFFC180;
	s9 =	sor.u32 @p1 $0x1C0D, s17;
	s17 =	sshrl.u32 @p1 s20, $0x3  }
0x28: {  	[hbm:s19], [sflag:s9] =	dma.local @p1 [spmem:s17], $0x3E80  }
0x29: {  	s9 =	simm.s32 @p1 $0xD  }
0x2a: {  	_ =	swait.ge @p1 [sflag:s9], $0x3E80  }
0x2b: {  	s16 =	sadd.s32 $0x1, s16;
	s30 =	rddreg [dreg:$0xf]  }
0x2c: {  	p3 =	sne.s32 s16, s30  }
.Ltmp1:
0x2d: {  	_ = 	snop;
	(pc) =	sbr.rel @!p3 .LBB2_5-.Ltmp1, $3  }
0x2e: {  	_ =	sdelay $0x1  }
0x2f: {  	[sflag:s9] =	ssyncset.done @p1 $0x0  }
0x30: {  	s18 =	stileid.u32;
	[sflag:s9] =	ssyncadd.s32 @p1 $0xFFFFC180  }
.LBB2_1:
0x31: {  	s9 =	rddreg [dreg:$0x4]  }
0x32: {  	s17 =	rddreg [dreg:$0x10]  }
0x33: {  	s18 =	rddreg [dreg:$0x11]  }
0x34: {  	[spmem:s18], [sflag:s17] =	dma.local @!p2 [hbm:s9], $0x3E80  }
0x35: {  	s17 =	simm.s32 @!p2 $0xD  }
0x36: {  	_ =	swait.ge @!p2 [sflag:s17], $0x3E80  }
0x37: {  	[sflag:s17] =	ssyncset.done @!p2 $0x0  }
0x38: {  	s21 =	rddreg [dreg:$0x6];
	[sflag:s17] =	ssyncadd.s32 @!p2 $0xFFFFC180  }
0x39: {  	[tilespmem:s4], [sflag:$0xD] =	stream.linear.gather [hbm4b:s21+s4], $0x80, $0x38;
	[tilespmem:$0x1FD00] =	vst v63  }
0x3a: {  	_ =	swait.ge [sflag:s22], $0x80  }
0x3b: {  	[sflag:s22] =	ssyncset.done $0x0  }
0x3c: {  	s30 =	rddreg [dreg:$0x7];
	[sflag:s22] =	ssyncadd.s32 $0xFFFFFF80  }
0x3d: {  	[tilespmem:s23], [sflag:$0xD] =	stream.linear.gather [hbm4b:s30+s4], $0x80, $0x38;
	[tilespmem:$0x1FD00] =	vst v63  }
0x3e: {  	_ =	swait.ge [sflag:s22], $0x80  }
0x3f: {  	[sflag:s22] =	ssyncset.done $0x0  }
0x40: {  	s17 =	rddreg [dreg:$0x8];
	[sflag:s22] =	ssyncadd.s32 $0xFFFFFF80  }
0x41: {  	[tilespmem:s24], [sflag:$0xD] =	stream.linear.gather [hbm4b:s17+s4], $0x80, $0x38;
	[tilespmem:$0x1FD00] =	vst v63  }
0x42: {  	_ =	swait.ge [sflag:s22], $0x80  }
0x43: {  	[sflag:s22] =	ssyncset.done $0x0  }
0x44: {  	s18 =	rddreg [dreg:$0x9];
	[sflag:s22] =	ssyncadd.s32 $0xFFFFFF80  }
0x45: {  	[tilespmem:s25], [sflag:$0xD] =	stream.linear.gather [hbm4b:s18+s4], $0x80, $0x38;
	[tilespmem:$0x1FD00] =	vst v63  }
0x46: {  	_ =	swait.ge [sflag:s22], $0x80  }
0x47: {  	[sflag:s22] =	ssyncset.done $0x0  }
0x48: {  	s19 =	rddreg [dreg:$0xa];
	[sflag:s22] =	ssyncadd.s32 $0xFFFFFF80  }
0x49: {  	[tilespmem:s26], [sflag:$0x5] =	stream.linear.gather [hbm4b:s19+s4], $0x80, $0x38;
	[tilespmem:$0x1FD00] =	vst v63  }
0x4a: {  	[bflag:$0x0] =	sbarrier.arrive $0xFFFF  }
0x4b: {  	[tilespmem:s28], [sflag:$0x7] =	stream.indirect.gather [hbm4b:s1+s23], $0x80, s4, s23, $0xb8;
	[tilespmem:$0x1FD00] =	vst v63  }
0x4c: {  	s20 =	simm.s32 $0x7  }
0x4d: {  	[tilespmem:s29], [sflag:$0x8] =	stream.indirect.gather [hbm4b:s1+s23], $0x80, s23, s23, $0xb8;
	[tilespmem:$0x1FD00] =	vst v63  }
0x4e: {  	_ =	swait.ge [sflag:s20], $0x4000  }
0x4f: {  	[sflag:s20] =	ssyncset.done $0x0  }
0x50: {  	s21 =	rddreg [dreg:$0xb];
	[sflag:s20] =	ssyncadd.s32 $0xFFFFC000  }
0x51: {  	[tilespmem:s4], [sflag:$0x1] =	stream.linear.gather [hbm4b:s21+s4], $0x80, $0x38;
	[tilespmem:$0x1FD00] =	vst v63  }
0x52: {  	_ = 	snop  }
0x53: {  	[spmem:s2] =	stream.indirect.scatter.add.f32 [tilespmem:s28], [sflag:$0xA], $0x80, s25, s23, $0xb8;
	[tilespmem:$0x1FD00] =	vst v63  }
0x54: {  	s30 =	rddreg [dreg:$0xc]  }
0x55: {  	[tilespmem:s31], [sflag:$0x6] =	stream.linear.gather [hbm4b:s30+s4], $0x80, $0x38;
	[tilespmem:$0x1FD00] =	vst v63  }
0x56: {  	s18 =	simm.s32 $0x0  }
0x57: {  	[tilespmem:s0], [sflag:$0x9] =	stream.indirect.gather [hbm4b:s1+s23], $0x80, s24, s23, $0xb8;
	[tilespmem:$0x1FD00] =	vst v63  }
.LBB2_2:
0x58: {  	p3 =	seq.s32 s18, $0x2580  }
0x59: {  	s17 =	sadd.s32 @!p3 $0x200, s18  }
0x5a: {  	s19 =	sand.u32 @!p3 $0x7C00, s17  }
0x5b: {  	s17 =	sand.u32 @!p3 $0x380, s17;
	s19 =	sadd.s32 @!p3 s7, s19  }
0x5c: {  	_ =	swait.ge [sflag:s8], $0x4000;
	s17 =	sor.u32 @!p3 s17, s19  }
0x5d: {  	[sflag:s8] =	ssyncset.done $0x0;
	s20 =	simm.s32 @!p3 $0x80;
	s17 =	sshrl.u32 @!p3 s17, $0x3  }
0x5e: {  	[sflag:s8] =	ssyncadd.s32 $0xFFFFC000;
	s19 =	simm.s32 @!p3 $0x0;
	s17 =	sadd.s32 @!p3 s5, s17  }
0x5f: {  	[tilespmem:s20], [sflag:$0x2] =	stream.linear.gather @!p3 [hbm4b:s17+s19], $0x80, $0x38;
	[tilespmem:$0x1FD00] =	vst v63  }
0x60: {  	s17 =	smov.u32 s18  }
0x61: {  	_ =	swait.ge [sflag:s3], $0x80;
	s17 =	simm.s32 @p3 $0x2580  }
0x62: {  	[sflag:s3] =	ssyncset.done $0x0;
	s21 =	sadd.s32 $0x180, s17  }
0x63: {  	[sflag:s3] =	ssyncadd.s32 $0xFFFFFF80;
	s30 =	sand.u32 $0x7C00, s21  }
0x64: {  	[spmem:s2] =	stream.indirect.scatter.add.f32 [tilespmem:s29], [sflag:$0xB], $0x80, s26, s23, $0xb8;
	[tilespmem:$0x1FD00] =	vst v63  }
0x65: {  	s21 =	sand.u32 $0x380, s21;
	s30 =	sadd.s32 s7, s30  }
0x66: {  	_ =	swait.ge [sflag:s11], $0x4000;
	s21 =	sor.u32 s21, s30  }
0x67: {  	[sflag:s11] =	ssyncset.done $0x0;
	s21 =	sshrl.u32 s21, $0x3  }
0x68: {  	[sflag:s11] =	ssyncadd.s32 $0xFFFFC000;
	s21 =	sadd.s32 s6, s21  }
0x69: {  	[tilespmem:s25], [sflag:$0x4] =	stream.linear.gather [hbm4b:s21+s4], $0x80, $0x38;
	[tilespmem:$0x1FD00] =	vst v63  }
0x6a: {  	_ =	swait.ge [sflag:s12], $0x80  }
0x6b: {  	[sflag:s12] =	ssyncset.done $0x0  }
0x6c: {  	[sflag:s12] =	ssyncadd.s32 $0xFFFFFF80  }
0x6d: {  	[tilespmem:s28], [sflag:$0x7] =	stream.indirect.gather [hbm4b:s1+s23], $0x80, s4, s23, $0xb8;
	[tilespmem:$0x1FD00] =	vst v63  }
0x6e: {  	_ =	swait.ge [sflag:s13], $0x4000  }
0x6f: {  	[sflag:s13] =	ssyncset.done $0x0  }
0x70: {  	s21 =	simm.s32 @p3 $0x6;
	[sflag:s13] =	ssyncadd.s32 $0xFFFFC000  }
0x71: {  	_ =	swait.ge @p3 [sflag:s21], $0x80  }
0x72: {  	s9 =	simm.s32 @p3 $0x8300;
	[sflag:s21] =	ssyncset.done @p3 $0x0  }
0x73: {  	s30 =	simm.s32 @p3 $0x280;
	[sflag:s21] =	ssyncadd.s32 @p3 $0xFFFFFF80;
	s21 =	simm.s32 @p3 $0x80  }
0x74: {  	[spmem:s2] =	stream.indirect.scatter.add.f32 @p3 [tilespmem:s9], [sflag:$0xC], $0x80, s30, s21, $0xb8;
	[tilespmem:$0x1FD00] =	vst v63  }
0x75: {  	s9 =	simm.s32 @p3 $0xB  }
0x76: {  	_ =	swait.ge @p3 [sflag:s9], $0x4000  }
0x77: {  	s21 =	sadd.s32 @!p3 $0x280, s17;
	[sflag:s9] =	ssyncset.done @p3 $0x0  }
0x78: {  	[sflag:s9] =	ssyncadd.s32 @p3 $0xFFFFC000;
	s9 =	sand.u32 @!p3 $0x7C00, s21  }
0x79: {  	s30 =	simm.s32 @p3 $0x7;
	s21 =	sand.u32 @!p3 $0x380, s21;
	s9 =	sadd.s32 @!p3 s7, s9  }
0x7a: {  	_ =	swait.ge @p3 [sflag:s30], $0x4000;
	s9 =	sor.u32 @!p3 s21, s9  }
0x7b: {  	[sflag:s30] =	ssyncset.done @p3 $0x0;
	s9 =	sshrl.u32 @!p3 s9, $0x3  }
0x7c: {  	s21 =	simm.s32 @!p3 $0x100;
	[sflag:s30] =	ssyncadd.s32 @p3 $0xFFFFC000;
	s9 =	sadd.s32 @!p3 s5, s9  }
0x7d: {  	[tilespmem:s21], [sflag:$0x3] =	stream.linear.gather @!p3 [hbm4b:s9+s19], $0x80, $0x38;
	[tilespmem:$0x1FD00] =	vst v63  }
0x7e: {  	s9 =	simm.s32 @!p3 $0x6  }
0x7f: {  	_ =	swait.ge @!p3 [sflag:s9], $0x80  }
0x80: {  	[sflag:s9] =	ssyncset.done @!p3 $0x0  }
0x81: {  	s21 =	simm.s32 @!p3 $0x8300;
	[sflag:s9] =	ssyncadd.s32 @!p3 $0xFFFFFF80;
	s9 =	simm.s32 @!p3 $0x280  }
0x82: {  	[spmem:s2] =	stream.indirect.scatter.add.f32 @!p3 [tilespmem:s21], [sflag:$0xC], $0x80, s9, s20, $0xb8;
	[tilespmem:$0x1FD00] =	vst v63  }
0x83: {  	s9 =	sadd.s32 @!p3 $0x200, s17  }
0x84: {  	s21 =	sand.u32 @!p3 $0x7C00, s9  }
0x85: {  	s30 =	simm.s32 @!p3 $0xB;
	s9 =	sand.u32 @!p3 $0x380, s9;
	s21 =	sadd.s32 @!p3 s7, s21  }
0x86: {  	_ =	swait.ge @!p3 [sflag:s30], $0x4000;
	s9 =	sor.u32 @!p3 s9, s21  }
0x87: {  	[sflag:s30] =	ssyncset.done @!p3 $0x0;
	s9 =	sshrl.u32 @!p3 s9, $0x3  }
0x88: {  	[sflag:s30] =	ssyncadd.s32 @!p3 $0xFFFFC000;
	s21 =	simm.s32 @!p3 $0x200;
	s9 =	sadd.s32 @!p3 s6, s9  }
0x89: {  	[tilespmem:s21], [sflag:$0x5] =	stream.linear.gather @!p3 [hbm4b:s9+s19], $0x80, $0x38;
	[tilespmem:$0x1FD00] =	vst v63  }
0x8a: {  	s9 =	simm.s32 @!p3 $0x2  }
0x8b: {  	_ =	swait.ge @!p3 [sflag:s9], $0x80  }
0x8c: {  	[sflag:s9] =	ssyncset.done @!p3 $0x0  }
0x8d: {  	[sflag:s9] =	ssyncadd.s32 @!p3 $0xFFFFFF80;
	s9 =	simm.s32 @!p3 $0x4300  }
0x8e: {  	[tilespmem:s9], [sflag:$0x8] =	stream.indirect.gather @!p3 [hbm4b:s1+s20], $0x80, s20, s20, $0xb8;
	[tilespmem:$0x1FD00] =	vst v63  }
0x8f: {  	s9 =	sadd.s32 @!p3 $0x300, s17  }
0x90: {  	s20 =	sand.u32 @!p3 $0x7C00, s9  }
0x91: {  	s21 =	simm.s32 @!p3 $0x7;
	s9 =	sand.u32 @!p3 $0x380, s9;
	s20 =	sadd.s32 @!p3 s7, s20  }
0x92: {  	_ =	swait.ge @!p3 [sflag:s21], $0x4000;
	s9 =	sor.u32 @!p3 s9, s20  }
0x93: {  	[sflag:s21] =	ssyncset.done @!p3 $0x0;
	s9 =	sshrl.u32 @!p3 s9, $0x3  }
0x94: {  	[sflag:s21] =	ssyncadd.s32 @!p3 $0xFFFFC000;
	s9 =	sadd.s32 @!p3 s5, s9  }
0x95: {  	[tilespmem:s19], [sflag:$0x1] =	stream.linear.gather @!p3 [hbm4b:s9+s19], $0x80, $0x38;
	[tilespmem:$0x1FD00] =	vst v63  }
0x96: {  	_ =	swait.ge [sflag:s14], $0x80  }
0x97: {  	[sflag:s14] =	ssyncset.done $0x0  }
.Ltmp2:
0x98: {  	[sflag:s14] =	ssyncadd.s32 $0xFFFFFF80;
	(pc) =	sbr.rel @p3 .LBB2_4-.Ltmp2, $4  }
0x99: {  	[spmem:s2] =	stream.indirect.scatter.add.f32 [tilespmem:s28], [sflag:$0xA], $0x80, s25, s23, $0xb8;
	[tilespmem:$0x1FD00] =	vst v63  }
0x9a: {  	_ =	swait.ge [sflag:s15], $0x4000  }
0x9b: {  	[sflag:s15] =	ssyncset.done $0x0  }
0x9c: {  	[sflag:s15] =	ssyncadd.s32 $0xFFFFC000  }
0x9d: {  	s9 =	sadd.s32 $0x280, s17  }
0x9e: {  	s17 =	sand.u32 $0x7C00, s9  }
0x9f: {  	s9 =	sand.u32 $0x380, s9;
	s17 =	sadd.s32 s7, s17  }
0xa0: {  	s9 =	sor.u32 s9, s17  }
0xa1: {  	s9 =	sshrl.u32 s9, $0x3  }
0xa2: {  	s9 =	sadd.s32 s6, s9  }
0xa3: {  	[tilespmem:s31], [sflag:$0x6] =	stream.linear.gather [hbm4b:s9+s4], $0x80, $0x38;
	[tilespmem:$0x1FD00] =	vst v63  }
.Ltmp3:
0xa4: {  	_ = 	snop;
	(pc) =	sbr.rel .LBB2_2-.Ltmp3, $4  }
0xa5: {  	_ =	swait.ge [sflag:s10], $0x80  }
0xa6: {  	[sflag:s10] =	ssyncset.done $0x0  }
0xa7: {  	s18 =	sadd.s32 $0x180, s18;
	[sflag:s10] =	ssyncadd.s32 $0xFFFFFF80  }
0xa8: {  	[tilespmem:s0], [sflag:$0x9] =	stream.indirect.gather [hbm4b:s1+s23], $0x80, s24, s23, $0xb8;
	[tilespmem:$0x1FD00] =	vst v63  }
.LBB2_5:
0xa9: {  	_ =	sfence.sel $0x180000  }
0xaa: {  	[bflag:$0x0] =	sbarrier.arrive $0xFFFF  }
0xab: {  	_ =	strace $0x9000004D  }
0xac: {  	[bflag:$0x2] =	sbarrier.arrive $0xFFFF  }
0xad: {  	p0 =	sne.s32 s18, $0x0;
	s0 =	rddreg [dreg:$0x3]  }
0xae: {  	s0 =	sadd.s32 @!p0 $0x100000, s0  }
0xaf: {  	[sflag:s0] =	ssyncadd.tile.s32 @!p0 $0x1;
	_ =	shalt  }
.Lfunc_end2:
_tile_overlayer_lowered:
.L_overlay_start_2:
0xb0: {  	(tag) =	ssettag $0x2  }
0xb1: {  	s0 =	rddreg [dreg:$0x0];
	s2 =	stileid.u32  }
0xb2: {  	s1 =	rddreg [dreg:$0x1];
	p0 =	sne.s32 s2, $0x0  }
0xb3: {  	s3 =	rddreg [dreg:$0x2];
	[bflag:$0x3] =	sbarrier.arrive $0xFFFF;
	s2 =	simm.s32 @!p0 $0x1C0D  }
0xb4: {  	[timem:s3], [sflag:s2] =	dma.local @!p0 [hbm:s0], s1  }
0xb5: {  	s0 =	simm.s32 @!p0 $0xD  }
0xb6: {  	_ =	swait.ge @!p0 [sflag:s0], s1  }
0xb7: {  	s1 =	ssub.s32 @!p0 $0x0, s1;
	[sflag:s0] =	ssyncset.done @!p0 $0x0  }
0xb8: {  	[sflag:s0] =	ssyncadd.s32 @!p0 s1  }
0xb9: {  	[bflag:$0x3] =	sbarrier.arrive $0xFFFF  }
0xba: {  	_ =	shalt  }

// kernel: kernel.9.cloned.1.call-start
scs
__scs_entry_jumppad:
0x0: {  	(pc) =	sbr.rel $0x88, $3  }
0x1: {  	(tag) =	ssettag $0x0;
	lr =	simm.s32 $0x1  }
0x2: {  	[smem:$0x3F9B] =	sst lr;
	_ =	strace $0xD0000000  }
0x3: {  	_ = 	snop  }
0x4: {  	_ = 	snop  }
0x5: {  	_ = 	snop  }
0x6: {  	_ = 	snop  }
0x7: {  	_ = 	snop  }
__scs_overlays_trampoline_lowered:
0x8: {  	[smem:$0x3FAA] =	sst s0  }
0x9: {  	[smem:$0x3FAB] =	sst s1  }
0xa: {  	[smem:$0x3FAC] =	sst s2  }
0xb: {  	[smem:$0x3FAD] =	sst s3  }
0xc: {  	[smem:$0x3FAE] =	sst s4  }
0xd: {  	[smem:$0x3FAF] =	sst s5  }
0xe: {  	[smem:$0x3FB0] =	sst s6  }
0xf: {  	[smem:$0x3FB1] =	sst s7  }
0x10: {  	[smem:$0x3FB2] =	sst s8  }
0x11: {  	[smem:$0x3FB3] =	sst s9;
	s0 =	simm.s32 @!p0 $0x0  }
0x12: {  	s1 =	sld [smem:$0x3F99];
	s0 =	simm.s32 @p0 $0x1  }
0x13: {  	[smem:$0x3FB4] =	sst s0;
	s0 =	simm.s32 @!p1 $0x0  }
0x14: {  	s2 =	sld [smem:$0x3F98];
	s0 =	simm.s32 @p1 $0x1  }
0x15: {  	[smem:$0x3FB5] =	sst s0;
	s0 =	simm.s32 @!p2 $0x0  }
0x16: {  	s3 =	sld [smem:$0x3FDB];
	s0 =	simm.s32 @p2 $0x1  }
0x17: {  	s4 =	simm.s32 $0x1BF5;
	[smem:$0x3FB7] =	sst s0  }
0x18: {  	s0 =	sld [smem:$0x3F9A];
	_ =	swait.ge [sflag:s4], $0x0  }
0x19: {  	s7 =	sld [smem:$0x3F9B]  }
0x1a: {  	s8 =	sadd.s32 $0xFFFFE003, lr  }
0x1b: {  	s9 =	sadd.s32 $0xFFFFFEF7, lr;
	s5 =	simm.s32 $0xFFFFFFFF;
	p2 =	slt.u32 s8, $0xFFFFF086  }
0x1c: {  	p1 =	slt.u32 s9, $0xF7A;
	s5 =	simm.s32 @!p2 $0x0  }
0x1d: {  	s5 =	simm.s32 @p1 $0x1;
	p0 =	seq.s32 s7, s2  }
0x1e: {  	s7 =	smul.u32 @!p0 $0xF7A, s2;
	p2 =	seq.s32 @!p0 s5, $0x0  }
0x1f: {  	s9 =	smul.u32 $0xF7A, s1;
	s8 =	simm.s32 @!p0 $0x1BF5;
	p2 =	por !p2, p0  }
0x20: {  	[sflag:s8] =	ssyncset.s32 @!p0 $0xFFFFF086;
	s6 =	sadd.s32 @!p0 s3, s7;
	s7 =	simm.s32 @!p0 $0x108  }
0x21: {  	s3 =	sadd.s32 s3, s9;
	s6 =	sadd.s32 @!p0 $0x88, s6;
	s7 =	simm.s32 @p2 $0x1082  }
0x22: {  	[simem:s7], [sflag:s8] =	dma.local @!p0 [hbm:s6], $0xF7A  }
0x23: {  	s9 =	sor.u32 $0xD0000000, s2;
	s6 =	simm.s32 $0x108;
	_ =	swait.ge @!p0 [sflag:s8], $0x0  }
0x24: {  	s3 =	sadd.s32 $0x88, s3;
	s6 =	simm.s32 @!p1 $0x1082;
	[sflag:s4] =	ssyncset.s32 $0xFFFFF086  }
0x25: {  	[simem:s6], [sflag:s4] =	dma.local [hbm:s3], $0xF7A  }
0x26: {  	[smem:$0x3F9B] =	sst s1;
	(tag) =	ssettag s2;
	_ =	strace s9  }
0x27: {  	s1 =	sld [smem:$0x3FAB]  }
0x28: {  	s2 =	sld [smem:$0x3FAC]  }
0x29: {  	s4 =	sld [smem:$0x3FAE]  }
0x2a: {  	p0 =	seq.s32 s5, $0x0;
	s5 =	sld [smem:$0x3FAF]  }
0x2b: {  	s6 =	sld [smem:$0x3FB0]  }
0x2c: {  	s7 =	sld [smem:$0x3FB1]  }
0x2d: {  	s3 =	simm.s32 $0x108;
	s8 =	sld [smem:$0x3FB2]  }
0x2e: {  	s3 =	simm.s32 @!p0 $0x1082;
	s9 =	sld [smem:$0x3FB3]  }
0x2f: {  	lr =	sadd.s32 s0, s3;
	s0 =	sld [smem:$0x3FAA]  }
0x30: {  	s3 =	sld [smem:$0x3FAD]  }
0x31: {  	[smem:$0x3FB6] =	sst s10  }
0x32: {  	s10 =	sld [smem:$0x3FB4];
	_ =	sdelay $0x3  }
0x33: {  	p0 =	seq.s32 s10, $0x1;
	s10 =	sld [smem:$0x3FB6];
	_ =	sdelay $0x3  }
0x34: {  	[smem:$0x3FB6] =	sst s10  }
0x35: {  	s10 =	sld [smem:$0x3FB5];
	_ =	sdelay $0x3  }
0x36: {  	p1 =	seq.s32 s10, $0x1;
	s10 =	sld [smem:$0x3FB6];
	_ =	sdelay $0x3  }
0x37: {  	[smem:$0x3FB6] =	sst s10  }
0x38: {  	s10 =	sld [smem:$0x3FB7]  }
0x39: {  	_ = 	snop;
	(pc) =	sbr.ind lr, $3  }
0x3a: {  	_ = 	snop  }
0x3b: {  	_ = 	snop  }
0x3c: {  	p2 =	seq.s32 s10, $0x1;
	s10 =	sld [smem:$0x3FB6]  }
0x3d: {  	_ =	shalt  }
0x3e: {  	_ =	shalt  }
0x3f: {  	_ =	shalt  }
0x40: {  	_ =	shalt  }
0x41: {  	_ =	shalt  }
0x42: {  	_ =	shalt  }
0x43: {  	_ =	shalt  }
0x44: {  	_ =	shalt  }
0x45: {  	_ =	shalt  }
0x46: {  	_ =	shalt  }
0x47: {  	_ =	shalt  }
0x48: {  	_ =	shalt  }
0x49: {  	_ =	shalt  }
0x4a: {  	_ =	shalt  }
0x4b: {  	_ =	shalt  }
0x4c: {  	_ =	shalt  }
0x4d: {  	_ =	shalt  }
0x4e: {  	_ =	shalt  }
0x4f: {  	_ =	shalt  }
0x50: {  	_ =	shalt  }
0x51: {  	_ =	shalt  }
0x52: {  	_ =	shalt  }
0x53: {  	_ =	shalt  }
0x54: {  	_ =	shalt  }
0x55: {  	_ =	shalt  }
0x56: {  	_ =	shalt  }
0x57: {  	_ =	shalt  }
0x58: {  	_ =	shalt  }
0x59: {  	_ =	shalt  }
0x5a: {  	_ =	shalt  }
0x5b: {  	_ =	shalt  }
0x5c: {  	_ =	shalt  }
0x5d: {  	_ =	shalt  }
0x5e: {  	_ =	shalt  }
0x5f: {  	_ =	shalt  }
0x60: {  	_ =	shalt  }
0x61: {  	_ =	shalt  }
0x62: {  	_ =	shalt  }
0x63: {  	_ =	shalt  }
0x64: {  	_ =	shalt  }
0x65: {  	_ =	shalt  }
0x66: {  	_ =	shalt  }
0x67: {  	_ =	shalt  }
0x68: {  	_ =	shalt  }
0x69: {  	_ =	shalt  }
0x6a: {  	_ =	shalt  }
0x6b: {  	_ =	shalt  }
0x6c: {  	_ =	shalt  }
0x6d: {  	_ =	shalt  }
0x6e: {  	_ =	shalt  }
0x6f: {  	_ =	shalt  }
0x70: {  	_ =	shalt  }
0x71: {  	_ =	shalt  }
0x72: {  	_ =	shalt  }
0x73: {  	_ =	shalt  }
0x74: {  	_ =	shalt  }
0x75: {  	_ =	shalt  }
0x76: {  	_ =	shalt  }
0x77: {  	_ =	shalt  }
0x78: {  	_ =	shalt  }
0x79: {  	_ =	shalt  }
0x7a: {  	_ =	shalt  }
0x7b: {  	_ =	shalt  }
0x7c: {  	_ =	shalt  }
0x7d: {  	_ =	shalt  }
0x7e: {  	_ =	shalt  }
0x7f: {  	_ =	shalt  }
0x80: {  	_ =	shalt  }
0x81: {  	_ =	shalt  }
0x82: {  	_ =	shalt  }
0x83: {  	_ =	shalt  }
0x84: {  	_ =	shalt  }
0x85: {  	_ =	shalt  }
0x86: {  	_ =	shalt  }
0x87: {  	_ =	shalt  }
.Lfunc_end0:
.L_simem_size_0:
called_computation_lowered:
.L_overlay_start_0:
0x88: {  	s2 =	sld [smem:$0x3FD9]  }
0x89: {  	s3 =	sld [smem:$0x3FFE];
	_ =	sdelay $0x1  }
0x8a: {  	s1 =	srdreg.scid  }
0x8b: {  	s0 =	sand.u32 $0x1, s1  }
0x8c: {  	s16 =	sshll.u32 s0, $0xA;
	s2 =	sadd.s32 s3, s2  }
0x8d: {  	s2 =	sadd.s32 s2, s16  }
0x8e: {  	[smem:$0x3FC2] =	sst s2  }
0x8f: {  	_ = 	snop  }
0x90: {  	(tm) =	ssettm $0x1  }
0x91: {  	s17 =	sld [smem:$0x3FFB];
	_ =	sdelay $0x3  }
0x92: {  	_ =	strace s17  }
0x93: {  	s2 =	sld [smem:$0x3FFC];
	_ =	sdelay $0x3  }
0x94: {  	_ =	strace s2  }
0x95: {  	s2 =	sld [smem:$0x3FFD];
	_ =	sdelay $0x3  }
0x96: {  	_ =	strace s2  }
0x97: {  	_ =	strace $0x8FFFFFFF  }
0x98: {  	s18 =	sld [smem:$0x3FDB];
	_ =	sdelay $0x1  }
0x99: {  	s19 =	simm.s32 $_scs_section_size  }
0x9a: {  	s4 =	simm.s32 $_size__tile_overlayer_lowered;
	s5 =	simm.s32 $_tile_overlayer_lowered  }
0x9b: {  	s22 =	simm.s32 $0x1BFF;
	s21 =	sshll.u32 s5, $0x1;
	s2 =	sadd.s32 s19, s18  }
0x9c: {  	s6 =	simm.s32 $0x0;
	s20 =	sshll.u32 s4, $0x1;
	s4 =	sadd.s32 s21, s2  }
0x9d: {  	[timem:s6], [sflag:s22] =	dma.local [hbm:s4], s20  }
0x9e: {  	_ =	swait.ge [sflag:s22], s20  }
0x9f: {  	s3 =	ssub.s32 $0x0, s20;
	[sflag:s22] =	ssyncset.done $0x0  }
0xa0: {  	[sflag:s22] =	ssyncadd.s32 s3;
	_ =	sdelay $0x1  }
0xa1: {  	s23 =	simm.s32 $0x1B8B  }
0xa2: {  	_ =	swait.ge [sflag:s23], $0x1  }
0xa3: {  	[sflag:s23] =	ssyncset.done $0x0  }
0xa4: {  	s25 =	simm.s32 $0x1B8E;
	s24 =	sld [smem:$0x3FFE];
	[sflag:s23] =	ssyncadd.s32 $0xFFFFFFFF  }
0xa5: {  	s26 =	simm.s32 $execute0_lowered;
	[smem:$0x3FD2] =	sst s25  }
0xa6: {  	s4 =	sshll.u32 s26, $0x1;
	_ =	strace $0x80000046;
	[dreg:$0x1] =	wrdreg $0xFFFFFFFF  }
0xa7: {  	s28 =	simm.s32 $_size_execute0_lowered;
	s2 =	sadd.s32 s2, s4;
	[dreg:$0x0] =	wrdreg $0x0  }
0xa8: {  	s4 =	sshll.u32 s28, $0x1;
	[dreg:$0x2] =	wrdreg s2  }
0xa9: {  	[dreg:$0x3] =	wrdreg s4  }
0xaa: {  	[dreg:$0x4] =	wrdreg $0xC0  }
0xab: {  	_ =	task [dreg:s6], $0x5FFFF  }
0xac: {  	[dreg:$0x1] =	wrdreg $0xFFFFFFFF  }
0xad: {  	[dreg:$0x0] =	wrdreg $0x60  }
0xae: {  	[dreg:$0x2] =	wrdreg s24  }
0xaf: {  	[dreg:$0x3] =	wrdreg $0x28800  }
0xb0: {  	[dreg:$0x4] =	wrdreg $0x9  }
0xb1: {  	_ =	task.clear_ibuf [dreg:s6], $0x5FFFF;
	_ =	strace $0x90000046  }
0xb2: {  	s29 =	simm.s32 $0x9;
	_ =	strace $0x80000048  }
0xb3: {  	_ =	swait.ge [sflag:s29], $0x1  }
0xb4: {  	[sflag:s29] =	ssyncadd.s32 $0xFFFFFFFF  }
0xb5: {  	_ =	strace $0x90000048  }
0xb6: {  	_ =	sfence  }
0xb7: {  	s30 =	sld [smem:$0x0];
	_ =	sdelay $0x2  }
0xb8: {  	s31 =	sshll.u32 s1, $0xD;
	s1 =	sshrl.u32 s1, $0x2  }
0xb9: {  	s3 =	sand.u32 $0x4000, s31;
	s1 =	sadd.s32 s1, s30  }
0xba: {  	s0 =	sor.u32 s3, s0;
	s1 =	sshll.u32 s1, $0x11  }
0xbb: {  	s0 =	sor.u32 s1, s0  }
0xbc: {  	s0 =	sadd.s32 $0x8F2B, s0  }
0xbd: {  	[sflag:s0] =	ssyncadd.remote.s32 $0x1  }
0xbe: {  	_ =	sfence.sel $0xFFFF  }
0xbf: {  	[dreg:$0x0] =	wrdreg $0xFFFFFFFF;
	(pc) =	sbr.abs _section_cstart, $3  }
0xc0: {  	[dreg:$0x1] =	wrdreg $0xFFFFFFFF  }
0xc1: {  	_ =	task.clear_ibuf [dreg:s6], $0x2FFFF;
	_ =	strace $0x9FFFFFFF  }
0xc2: {  	(tm) =	ssettm $0x7FFFFFFF  }
0xc3: {  	_ =	shalt  }
tec
execute0_lowered:
.L_overlay_start_1:
0x0: {  	(tag) =	ssettag $0x1  }
0x1: {  	s0 =	srdreg.scid;
	s5 =	rddreg [dreg:$0x0]  }
0x2: {  	s2 =	rddreg [dreg:$0x1];
	s3 =	simm.s32 $0x0;
	s11 =	simm.s32 $0xEC00  }
0x3: {  	s12 =	simm.s32 $0x2800;
	s13 =	simm.s32 $0x1;
	s14 =	simm.s32 $0x0  }
0x4: {  	s4 =	sand.u32 $0x1, s0;
	s0 =	stileid.u32;
	[smem:$0x7FF] =	sst s3  }
0x5: {  	s1 =	sshll.u32 s4, $0x4;
	s7 =	smul.u32 $0x280, s0;
	s8 =	ssub.s32 $0x2, s4  }
0x6: {  	s31 =	sshll.u32 s0, $0x6;
	p0 =	seq.s32 s4, $0x1;
	s6 =	sor.u32 s0, s1  }
0x7: {  	s1 =	rddreg [dreg:$0x2];
	_ =	strace $0x80000047;
	s10 =	sshrl.u32 s8, $0x1  }
0x8: {  	s11 =	simm.s32 @!p0 $0xE600;
	s6 =	smul.u32 $0x500, s6;
	s9 =	sshrl.u32 s7, $0x3  }
0x9: {  	s8 =	ssub.s32 s8, s10;
	s30 =	sadd.s32 s7, s2;
	s10 =	simm.s32 $0x2  }
0xa: {  	s9 =	sadd.s32 s9, s5;
	s7 =	smax.u32 s8, $0x1;
	s6 =	sadd.s32 s6, s5  }
0xb: {  	s4 =	sadd.s32 $0xE000, s9;
	s5 =	sor.u32 $0x1C02, s31;
	s8 =	sadd.s32 s11, s9  }
0xc: {  	v0 =	vimm.f32 $1.000000000e+00;
	s9 =	sshrl.u32 s30, $0x3;
	s11 =	simm.s32 $0x80;
	s6 =	sadd.s32 $0x4000, s6  }
.LBB2_1:
0xd: {  	[spmem:s9], [sflag:s5] =	dma.local [hbm:s4], $0x50  }
0xe: {  	_ =	swait.ge [sflag:s10], $0x50  }
0xf: {  	[sflag:s10] =	ssyncset.done $0x0  }
0x10: {  	[sflag:s10] =	ssyncadd.s32 $0xFFFFFFB0  }
0x11: {  	[tilespmem:s3], [sflag:$0x2] =	stream.linear.gather [hbm4b:s6+s3], $0x2780, $0x38;
	[tilespmem:$0x2B00] =	vst v63  }
0x12: {  	_ =	swait.ge [sflag:s10], $0x2780  }
0x13: {  	[sflag:s10] =	ssyncset.done $0x0  }
0x14: {  	[sflag:s10] =	ssyncadd.s32 $0xFFFFD880  }
0x15: {  	[tilespmem:$0x2800] =	vst v0  }
0x16: {  	[tilespmem:$0x2810] =	vst v0  }
0x17: {  	[tilespmem:$0x2820] =	vst v0  }
0x18: {  	[tilespmem:$0x2830] =	vst v0  }
0x19: {  	[tilespmem:$0x2840] =	vst v0  }
0x1a: {  	[tilespmem:$0x2850] =	vst v0  }
0x1b: {  	[tilespmem:$0x2860] =	vst v0  }
0x1c: {  	[tilespmem:$0x2870] =	vst v0  }
0x1d: {  	s15 =	simm.s32 $0x0;
	[bflag:$0x0] =	sbarrier.arrive $0xFFFF  }
.LBB2_2:
0x1e: {  	p0 =	sne.s32 s15, $0x9C00  }
.Ltmp0:
0x1f: {  	_ = 	snop;
	(pc) =	sbr.rel @p0 .LBB2_2-.Ltmp0, $3  }
0x20: {  	_ =	sdelay $0x1  }
0x21: {  	s16 =	sshra.s32 s15, $0x2;
	s15 =	sadd.s32 $0x200, s15  }
0x22: {  	[spmem:s2] =	stream.indirect.scatter.add.f32 [tilespmem:s12], [sflag:$0x1], $0x1, s16, s11, $0xb8;
	[tilespmem:$0x2B00] =	vst v63  }
0x23: {  	_ =	swait.ge [sflag:s13], $0x80  }
0x24: {  	s15 =	simm.s32 $0x4E;
	[sflag:s13] =	ssyncset.done $0x0  }
.LBB2_4:
0x25: {  	p0 =	sne.s32 s15, $0x1;
	s15 =	sadd.s32 $0xFFFFFFFF, s15;
	[sflag:s13] =	ssyncadd.s32 $0xFFFFFF80  }
.Ltmp1:
0x26: {  	(pc) =	sbr.rel @p0 .LBB2_4-.Ltmp1, $3  }
0x27: {  	_ =	sdelay $0x1  }
0x28: {  	_ =	swait.ge [sflag:s13], $0x80  }
0x29: {  	[sflag:s13] =	ssyncset.done $0x0  }
0x2a: {  	s14 =	sadd.s32 $0x1, s14  }
0x2b: {  	[sflag:s13] =	ssyncadd.s32 $0xFFFFFF80;
	p0 =	sne.s32 s14, s7  }
.Ltmp2:
0x2c: {  	[bflag:$0x0] =	sbarrier.arrive $0xFFFF;
	(pc) =	sbr.rel @p0 .LBB2_1-.Ltmp2, $4  }
0x2d: {  	[hbm:s8], [sflag:s5] =	dma.local [spmem:s9], $0x50  }
0x2e: {  	_ =	swait.ge [sflag:s10], $0x50  }
0x2f: {  	[sflag:s10] =	ssyncset.done $0x0  }
0x30: {  	[sflag:s10] =	ssyncadd.s32 $0xFFFFFFB0  }
0x31: {  	_ =	sfence.sel $0x180000  }
0x32: {  	[bflag:$0x0] =	sbarrier.arrive $0xFFFF  }
0x33: {  	p0 =	sne.s32 s0, $0x0;
	_ =	strace $0x90000047  }
0x34: {  	s0 =	sadd.s32 @!p0 $0x100000, s1;
	[bflag:$0x2] =	sbarrier.arrive $0xFFFF  }
0x35: {  	[sflag:s0] =	ssyncadd.tile.s32 @!p0 $0x1;
	_ =	shalt  }
.Lfunc_end2:
_tile_overlayer_lowered:
.L_overlay_start_2:
0x36: {  	(tag) =	ssettag $0x2  }
0x37: {  	s0 =	rddreg [dreg:$0x0];
	s2 =	stileid.u32  }
0x38: {  	s1 =	rddreg [dreg:$0x1];
	p0 =	sne.s32 s2, $0x0  }
0x39: {  	s3 =	rddreg [dreg:$0x2];
	[bflag:$0x3] =	sbarrier.arrive $0xFFFF;
	s2 =	simm.s32 @!p0 $0x1C02  }
0x3a: {  	[timem:s3], [sflag:s2] =	dma.local @!p0 [hbm:s0], s1  }
0x3b: {  	s0 =	simm.s32 @!p0 $0x2  }
0x3c: {  	_ =	swait.ge @!p0 [sflag:s0], s1  }
0x3d: {  	s1 =	ssub.s32 @!p0 $0x0, s1;
	[sflag:s0] =	ssyncset.done @!p0 $0x0  }
0x3e: {  	[sflag:s0] =	ssyncadd.s32 @!p0 s1  }
0x3f: {  	[bflag:$0x3] =	sbarrier.arrive $0xFFFF  }
0x40: {  	_ =	shalt  }

</sc_bundles>
